<compile_context>
chip_gen: v7x
topology: tpu7x:2x2x1
jax: 0.10.2.dev20260603
libtpu: 0.0.44.dev20260713+nightly
codegen_flags: <defaults>
</compile_context>

<pallas_src>
import functools

import jax
import jax.numpy as jnp
from jax import lax
from jax.experimental import pallas as pl
from jax.experimental.pallas import tpu as pltpu
from jax.experimental.pallas import tpu_sc as plsc

N_NODES = 10000
N_EDGES = 320000
D_FEAT_DIM = 128

NC, NS = 2, 16
NW = NC * NS
CHUNK = 40
ROWS_PER_W = 2 * N_EDGES // NW
NFULL = ROWS_PER_W // CHUNK
TAIL = ROWS_PER_W - NFULL * CHUNK
S = 5
G = 3

_mesh = plsc.VectorSubcoreMesh(core_axis_name="c", subcore_axis_name="s")


@functools.partial(
    pl.kernel,
    mesh=_mesh,
    out_type=jax.ShapeDtypeStruct((N_EDGES, 2 * D_FEAT_DIM), jnp.float32),
    scratch_types=[
        pltpu.VMEM((ROWS_PER_W,), jnp.int32),
        pltpu.VMEM((S, CHUNK, D_FEAT_DIM), jnp.float32),
        pltpu.VMEM_SHARED((N_NODES, D_FEAT_DIM), jnp.float32),
    ]
    + [pltpu.SemaphoreType.DMA] * (2 * S),
)
def _gather_rows(table, esrc, edst, out, idx_v, rows, table_sp, *sems):
    gsem = sems[:S]
    wsem = sems[S:]
    wid = lax.axis_index("s") * NC + lax.axis_index("c")
    sub = lax.axis_index("s")
    col = (wid // NS) * D_FEAT_DIM
    ebase = (wid % NS) * ROWS_PER_W

    STG = 624
    pltpu.sync_copy(
        table.at[pl.ds(sub * STG, STG)], table_sp.at[pl.ds(sub * STG, STG)]
    )

    @pl.when(sub == 0)
    def _():
        pltpu.sync_copy(
            table.at[pl.ds(NS * STG, N_NODES - NS * STG)],
            table_sp.at[pl.ds(NS * STG, N_NODES - NS * STG)],
        )

    @pl.when(wid < NS)
    def _():
        pltpu.sync_copy(esrc.at[pl.ds((wid % NS) * ROWS_PER_W, ROWS_PER_W)], idx_v)

    @pl.when(wid >= NS)
    def _():
        pltpu.sync_copy(edst.at[pl.ds((wid % NS) * ROWS_PER_W, ROWS_PER_W)], idx_v)

    plsc.subcore_barrier()

    def gather_start(j, s):
        pltpu.make_async_copy(
            table_sp.at[idx_v.at[pl.ds(j * CHUNK, CHUNK)]], rows.at[s], gsem[s]
        ).start()

    def gather_wait(j, s):
        pltpu.make_async_copy(
            table_sp.at[idx_v.at[pl.ds(j * CHUNK, CHUNK)]], rows.at[s], gsem[s]
        ).wait()

    def write_start(j, s):
        pltpu.make_async_copy(
            rows.at[s],
            out.at[pl.ds(ebase + j * CHUNK, CHUNK), pl.ds(col, D_FEAT_DIM)],
            wsem[s],
        ).start()

    def write_wait(s):
        pltpu.make_async_copy(
            rows.at[s],
            out.at[pl.ds(0, CHUNK), pl.ds(0, D_FEAT_DIM)],
            wsem[s],
        ).wait()

    for k in range(G):
        gather_start(k, k)

    def body(i, _):
        for s in range(S):
            j = S * i + s
            sn = (s + G) % S
            gather_wait(j, s)
            write_start(j, s)
            @pl.when(j >= S - G)
            def _():
                write_wait(sn)

            @pl.when(j + G < NFULL)
            def _():
                gather_start(j + G, sn)

        return 0

    lax.fori_loop(0, NFULL // S, body, 0)

    for j in range(NFULL - (S - G), NFULL):
        write_wait(j % S)



def kernel(node_feature, edge_src, edge_dst):
    return _gather_rows(
        node_feature, edge_src.astype(jnp.int32), edge_dst.astype(jnp.int32)
    )

# --- scband reference (transcript-rebuilt; emitter-appended) ---
"""Pipeline reference for scband-gather-incident-12429635354790 (READ-ONLY COPY).

The authoritative reference and input builder live on the scoring server;
editing this copy changes nothing except your own understanding.
"""

import jax, jax.numpy as jnp
import numpy as np

N_NODES = 10000
N_EDGES = 320000
D_FEAT = 128

def setup_inputs(seed: int = 0) -> dict:
    key = jax.random.key(seed)
    k1, k2, k3 = jax.random.split(key, 3)
    node_feature = jax.random.normal(k1, (N_NODES, D_FEAT), dtype=jnp.float32)
    edge_src = jax.random.randint(k2, (N_EDGES,), 0, N_NODES, dtype=jnp.int64 if jax.config.jax_enable_x64 else jnp.int32)
    edge_dst = jax.random.randint(k3, (N_EDGES,), 0, N_NODES, dtype=jnp.int64 if jax.config.jax_enable_x64 else jnp.int32)
    return {"node_feature": node_feature, "edge_src": edge_src, "edge_dst": edge_dst}

def reference(node_feature, edge_src, edge_dst):
    # GatherIncident with concat=True:
    # gather source and destination node features per edge, concat along feature dim
    node_feature_src = jnp.take(node_feature, edge_src, axis=0)
    node_feature_dst = jnp.take(node_feature, edge_dst, axis=0)
    node_feature_incident = jnp.concatenate([node_feature_src, node_feature_dst], axis=1)
    return node_feature_incident

if __name__ == "__main__":
    import jax
    _d = setup_inputs()
    print(jax.jit(kernel)(*tuple(_d.values())))

</pallas_src>

<mosaic_0001>
#map = affine_map<(d0, d1) -> (0, 0)>
#map1 = affine_map<(d0, d1) -> (0)>
module attributes {stable_mosaic.version = 14 : i64} {
  func.func @_gather_rows(%arg0: i32, %arg1: i32, %arg2: memref<10000x128xf32, #tpu.memory_space<hbm>>, %arg3: memref<320000xi32, #tpu.memory_space<hbm>>, %arg4: memref<320000xi32, #tpu.memory_space<hbm>>, %arg5: memref<320000x256xf32, #tpu.memory_space<hbm>>, %arg6: memref<20000xi32, #tpu.memory_space<vmem>>, %arg7: memref<5x40x128xf32, #tpu.memory_space<vmem>>, %arg8: memref<10000x128xf32, #tpu.memory_space<vmem_shared>>, %arg9: memref<!tpu.dma_semaphore, #tpu.memory_space<semaphore_mem>>, %arg10: memref<!tpu.dma_semaphore, #tpu.memory_space<semaphore_mem>>, %arg11: memref<!tpu.dma_semaphore, #tpu.memory_space<semaphore_mem>>, %arg12: memref<!tpu.dma_semaphore, #tpu.memory_space<semaphore_mem>>, %arg13: memref<!tpu.dma_semaphore, #tpu.memory_space<semaphore_mem>>, %arg14: memref<!tpu.dma_semaphore, #tpu.memory_space<semaphore_mem>>, %arg15: memref<!tpu.dma_semaphore, #tpu.memory_space<semaphore_mem>>, %arg16: memref<!tpu.dma_semaphore, #tpu.memory_space<semaphore_mem>>, %arg17: memref<!tpu.dma_semaphore, #tpu.memory_space<semaphore_mem>>, %arg18: memref<!tpu.dma_semaphore, #tpu.memory_space<semaphore_mem>>) attributes {dimension_semantics = [#tpu.dimension_semantics<core_parallel>, #tpu.dimension_semantics<subcore_parallel>], iteration_bounds = array<i64: 2, 16>, scalar_prefetch = 0 : i64, scratch_operands = 13 : i64, tpu.core_type = #tpu.core_type<sc_vector_subcore>, window_params = [{transform_indices = #map}, {transform_indices = #map1}, {transform_indices = #map1}, {transform_indices = #map}]} {
    %mul3A = arith.constant 2 : i32
    %mul3A_0 = arith.muli %arg1, %mul3A : i32
    %add3A = arith.addi %mul3A_0, %arg0 : i32
    %jit3A = arith.constant 16 : i32
    %div3A = arith.divsi %add3A, %jit3A : i32
    %sign3A = arith.constant 0 : i32
    %sign3A_1 = arith.cmpi sgt, %add3A, %sign3A : i32
    %sign3A_2 = arith.extui %sign3A_1 : i1 to i32
    %sign3A_3 = arith.constant 0 : i32
    %sign3A_4 = arith.cmpi slt, %add3A, %sign3A_3 : i32
    %sign3A_5 = arith.extui %sign3A_4 : i1 to i32
    %sign3A_6 = arith.subi %sign3A_2, %sign3A_5 : i32
    %sign3A_7 = arith.constant 0 : i32
    %sign3A_8 = arith.cmpi sgt, %jit3A, %sign3A_7 : i32
    %sign3A_9 = arith.extui %sign3A_8 : i1 to i32
    %sign3A_10 = arith.constant 0 : i32
    %sign3A_11 = arith.cmpi slt, %jit3A, %sign3A_10 : i32
    %sign3A_12 = arith.extui %sign3A_11 : i1 to i32
    %sign3A_13 = arith.subi %sign3A_9, %sign3A_12 : i32
    %ne3A = arith.cmpi ne, %sign3A_6, %sign3A_13 : i32
    %rem3A = arith.remsi %add3A, %jit3A : i32
    %ne3A_14 = arith.constant 0 : i32
    %ne3A_15 = arith.cmpi ne, %rem3A, %ne3A_14 : i32
    %and3A = arith.andi %ne3A, %ne3A_15 : i1
    %sub3A = arith.constant 1 : i32
    %sub3A_16 = arith.subi %div3A, %sub3A : i32
    %select_n3A = arith.select %and3A, %sub3A_16, %div3A : i32
    %mul3A_17 = arith.constant 128 : i32
    %mul3A_18 = arith.muli %select_n3A, %mul3A_17 : i32
    %jit3A_19 = arith.constant 16 : i32
    %eq3A = arith.constant 0 : i32
    %eq3A_20 = arith.cmpi eq, %jit3A_19, %eq3A : i32
    %jit3A_21 = arith.constant 1 : i32
    %select_n3A_22 = arith.select %eq3A_20, %jit3A_21, %jit3A_19 : i32
    %rem3A_23 = arith.remsi %add3A, %select_n3A_22 : i32
    %ne3A_24 = arith.constant 0 : i32
    %ne3A_25 = arith.cmpi ne, %rem3A_23, %ne3A_24 : i32
    %lt3A = arith.constant 0 : i32
    %lt3A_26 = arith.cmpi slt, %rem3A_23, %lt3A : i32
    %lt3A_27 = arith.constant 0 : i32
    %lt3A_28 = arith.cmpi slt, %select_n3A_22, %lt3A_27 : i32
    %ne3A_29 = arith.xori %lt3A_26, %lt3A_28 : i1
    %and3A_30 = arith.andi %ne3A_29, %ne3A_25 : i1
    %add3A_31 = arith.addi %rem3A_23, %select_n3A_22 : i32
    %select_n3A_32 = arith.select %and3A_30, %add3A_31, %rem3A_23 : i32
    %mul3A_33 = arith.constant 20000 : i32
    %mul3A_34 = arith.muli %select_n3A_32, %mul3A_33 : i32
    %mul3A_35 = arith.constant 624 : i32
    %mul3A_36 = arith.muli %arg1, %mul3A_35 : i32
    %mul3A_37 = arith.constant 624 : i32
    %mul3A_38 = arith.muli %arg1, %mul3A_37 : i32
    "tpu.region"() ({
      %run_scoped3A = tpu.sem_alloc : memref<!tpu.dma_semaphore, #tpu.memory_space<semaphore_mem>>
      %dma_start3A_115 = arith.constant 0 : i32
      %dma_start3A_116 = tpu.memref_slice %arg8[%mul3A_38, %dma_start3A_115] : memref<10000x128xf32, #tpu.memory_space<vmem_shared>> -> memref<624x128xf32, #tpu.memory_space<vmem_shared>>
      %dma_start3A_117 = arith.constant 0 : i32
      %dma_start3A_118 = tpu.memref_slice %arg2[%mul3A_36, %dma_start3A_117] : memref<10000x128xf32, #tpu.memory_space<hbm>> -> memref<624x128xf32, #tpu.memory_space<hbm>>
      tpu.enqueue_dma source(%dma_start3A_118 : memref<624x128xf32, #tpu.memory_space<hbm>>) target(%dma_start3A_116 : memref<624x128xf32, #tpu.memory_space<vmem_shared>>) target_semaphore(%run_scoped3A : memref<!tpu.dma_semaphore, #tpu.memory_space<semaphore_mem>>)
      %dma_wait3A_119 = arith.constant 0 : i32
      %dma_wait3A_120 = tpu.memref_slice %arg8[%mul3A_38, %dma_wait3A_119] : memref<10000x128xf32, #tpu.memory_space<vmem_shared>> -> memref<624x128xf32, #tpu.memory_space<vmem_shared>>
      %dma_wait3A_121 = arith.constant 0 : i32
      %dma_wait3A_122 = tpu.memref_slice %arg2[%mul3A_36, %dma_wait3A_121] : memref<10000x128xf32, #tpu.memory_space<hbm>> -> memref<624x128xf32, #tpu.memory_space<hbm>>
      tpu.wait_dma2 semaphore(%run_scoped3A : memref<!tpu.dma_semaphore, #tpu.memory_space<semaphore_mem>>) src(%dma_wait3A_122 : memref<624x128xf32, #tpu.memory_space<hbm>>) dst(%dma_wait3A_120 : memref<624x128xf32, #tpu.memory_space<vmem_shared>>)
      tpu.yield
    }) : () -> ()
    %eq3A_39 = arith.constant 0 : i32
    %eq3A_40 = arith.cmpi eq, %arg1, %eq3A_39 : i32
    %convert_element_type3A = arith.extui %eq3A_40 : i1 to i32
    %cond3A = arith.constant 0 : i32
    %cond3A_41 = arith.cmpi ne, %convert_element_type3A, %cond3A : i32
    scf.if %cond3A_41 {
      "tpu.region"() ({
        %run_scoped3A = tpu.sem_alloc : memref<!tpu.dma_semaphore, #tpu.memory_space<semaphore_mem>>
        %dma_start3A_115 = arith.constant 9984 : i32
        %dma_start3A_116 = arith.constant 0 : i32
        %dma_start3A_117 = tpu.memref_slice %arg8[%dma_start3A_115, %dma_start3A_116] : memref<10000x128xf32, #tpu.memory_space<vmem_shared>> -> memref<16x128xf32, #tpu.memory_space<vmem_shared>>
        %dma_start3A_118 = arith.constant 9984 : i32
        %dma_start3A_119 = arith.constant 0 : i32
        %dma_start3A_120 = tpu.memref_slice %arg2[%dma_start3A_118, %dma_start3A_119] : memref<10000x128xf32, #tpu.memory_space<hbm>> -> memref<16x128xf32, #tpu.memory_space<hbm>>
        tpu.enqueue_dma source(%dma_start3A_120 : memref<16x128xf32, #tpu.memory_space<hbm>>) target(%dma_start3A_117 : memref<16x128xf32, #tpu.memory_space<vmem_shared>>) target_semaphore(%run_scoped3A : memref<!tpu.dma_semaphore, #tpu.memory_space<semaphore_mem>>)
        %dma_wait3A_121 = arith.constant 9984 : i32
        %dma_wait3A_122 = arith.constant 0 : i32
        %dma_wait3A_123 = tpu.memref_slice %arg8[%dma_wait3A_121, %dma_wait3A_122] : memref<10000x128xf32, #tpu.memory_space<vmem_shared>> -> memref<16x128xf32, #tpu.memory_space<vmem_shared>>
        %dma_wait3A_124 = arith.constant 9984 : i32
        %dma_wait3A_125 = arith.constant 0 : i32
        %dma_wait3A_126 = tpu.memref_slice %arg2[%dma_wait3A_124, %dma_wait3A_125] : memref<10000x128xf32, #tpu.memory_space<hbm>> -> memref<16x128xf32, #tpu.memory_space<hbm>>
        tpu.wait_dma2 semaphore(%run_scoped3A : memref<!tpu.dma_semaphore, #tpu.memory_space<semaphore_mem>>) src(%dma_wait3A_126 : memref<16x128xf32, #tpu.memory_space<hbm>>) dst(%dma_wait3A_123 : memref<16x128xf32, #tpu.memory_space<vmem_shared>>)
        tpu.yield
      }) : () -> ()
    } else {
    }
    %lt3A_42 = arith.constant 16 : i32
    %lt3A_43 = arith.cmpi slt, %add3A, %lt3A_42 : i32
    %convert_element_type3A_44 = arith.extui %lt3A_43 : i1 to i32
    %cond3A_45 = arith.constant 0 : i32
    %cond3A_46 = arith.cmpi ne, %convert_element_type3A_44, %cond3A_45 : i32
    scf.if %cond3A_46 {
      %jit3A_115 = arith.constant 16 : i32
      %eq3A_116 = arith.constant 0 : i32
      %eq3A_117 = arith.cmpi eq, %jit3A_115, %eq3A_116 : i32
      %jit3A_118 = arith.constant 1 : i32
      %select_n3A_119 = arith.select %eq3A_117, %jit3A_118, %jit3A_115 : i32
      %rem3A_120 = arith.remsi %add3A, %select_n3A_119 : i32
      %ne3A_121 = arith.constant 0 : i32
      %ne3A_122 = arith.cmpi ne, %rem3A_120, %ne3A_121 : i32
      %lt3A_123 = arith.constant 0 : i32
      %lt3A_124 = arith.cmpi slt, %rem3A_120, %lt3A_123 : i32
      %lt3A_125 = arith.constant 0 : i32
      %lt3A_126 = arith.cmpi slt, %select_n3A_119, %lt3A_125 : i32
      %ne3A_127 = arith.xori %lt3A_124, %lt3A_126 : i1
      %and3A_128 = arith.andi %ne3A_127, %ne3A_122 : i1
      %add3A_129 = arith.addi %rem3A_120, %select_n3A_119 : i32
      %select_n3A_130 = arith.select %and3A_128, %add3A_129, %rem3A_120 : i32
      %mul3A_131 = arith.constant 20000 : i32
      %mul3A_132 = arith.muli %select_n3A_130, %mul3A_131 : i32
      "tpu.region"() ({
        %run_scoped3A = tpu.sem_alloc : memref<!tpu.dma_semaphore, #tpu.memory_space<semaphore_mem>>
        %dma_start3A_133 = tpu.memref_slice %arg3[%mul3A_132] : memref<320000xi32, #tpu.memory_space<hbm>> -> memref<20000xi32, #tpu.memory_space<hbm>>
        %dma_start3A_134 = tpu.memref_slice %arg3[%mul3A_132] : memref<320000xi32, #tpu.memory_space<hbm>> -> memref<20000xi32, #tpu.memory_space<hbm>>
        tpu.enqueue_dma source(%dma_start3A_134 : memref<20000xi32, #tpu.memory_space<hbm>>) target(%arg6 : memref<20000xi32, #tpu.memory_space<vmem>>) target_semaphore(%run_scoped3A : memref<!tpu.dma_semaphore, #tpu.memory_space<semaphore_mem>>)
        %dma_wait3A_135 = tpu.memref_slice %arg3[%mul3A_132] : memref<320000xi32, #tpu.memory_space<hbm>> -> memref<20000xi32, #tpu.memory_space<hbm>>
        %dma_wait3A_136 = tpu.memref_slice %arg3[%mul3A_132] : memref<320000xi32, #tpu.memory_space<hbm>> -> memref<20000xi32, #tpu.memory_space<hbm>>
        tpu.wait_dma2 semaphore(%run_scoped3A : memref<!tpu.dma_semaphore, #tpu.memory_space<semaphore_mem>>) src(%dma_wait3A_136 : memref<20000xi32, #tpu.memory_space<hbm>>) dst(%arg6 : memref<20000xi32, #tpu.memory_space<vmem>>)
        tpu.yield
      }) : () -> ()
    } else {
    }
    %ge3A = arith.constant 16 : i32
    %ge3A_47 = arith.cmpi sge, %add3A, %ge3A : i32
    %convert_element_type3A_48 = arith.extui %ge3A_47 : i1 to i32
    %cond3A_49 = arith.constant 0 : i32
    %cond3A_50 = arith.cmpi ne, %convert_element_type3A_48, %cond3A_49 : i32
    scf.if %cond3A_50 {
      %jit3A_115 = arith.constant 16 : i32
      %eq3A_116 = arith.constant 0 : i32
      %eq3A_117 = arith.cmpi eq, %jit3A_115, %eq3A_116 : i32
      %jit3A_118 = arith.constant 1 : i32
      %select_n3A_119 = arith.select %eq3A_117, %jit3A_118, %jit3A_115 : i32
      %rem3A_120 = arith.remsi %add3A, %select_n3A_119 : i32
      %ne3A_121 = arith.constant 0 : i32
      %ne3A_122 = arith.cmpi ne, %rem3A_120, %ne3A_121 : i32
      %lt3A_123 = arith.constant 0 : i32
      %lt3A_124 = arith.cmpi slt, %rem3A_120, %lt3A_123 : i32
      %lt3A_125 = arith.constant 0 : i32
      %lt3A_126 = arith.cmpi slt, %select_n3A_119, %lt3A_125 : i32
      %ne3A_127 = arith.xori %lt3A_124, %lt3A_126 : i1
      %and3A_128 = arith.andi %ne3A_127, %ne3A_122 : i1
      %add3A_129 = arith.addi %rem3A_120, %select_n3A_119 : i32
      %select_n3A_130 = arith.select %and3A_128, %add3A_129, %rem3A_120 : i32
      %mul3A_131 = arith.constant 20000 : i32
      %mul3A_132 = arith.muli %select_n3A_130, %mul3A_131 : i32
      "tpu.region"() ({
        %run_scoped3A = tpu.sem_alloc : memref<!tpu.dma_semaphore, #tpu.memory_space<semaphore_mem>>
        %dma_start3A_133 = tpu.memref_slice %arg4[%mul3A_132] : memref<320000xi32, #tpu.memory_space<hbm>> -> memref<20000xi32, #tpu.memory_space<hbm>>
        %dma_start3A_134 = tpu.memref_slice %arg4[%mul3A_132] : memref<320000xi32, #tpu.memory_space<hbm>> -> memref<20000xi32, #tpu.memory_space<hbm>>
        tpu.enqueue_dma source(%dma_start3A_134 : memref<20000xi32, #tpu.memory_space<hbm>>) target(%arg6 : memref<20000xi32, #tpu.memory_space<vmem>>) target_semaphore(%run_scoped3A : memref<!tpu.dma_semaphore, #tpu.memory_space<semaphore_mem>>)
        %dma_wait3A_135 = tpu.memref_slice %arg4[%mul3A_132] : memref<320000xi32, #tpu.memory_space<hbm>> -> memref<20000xi32, #tpu.memory_space<hbm>>
        %dma_wait3A_136 = tpu.memref_slice %arg4[%mul3A_132] : memref<320000xi32, #tpu.memory_space<hbm>> -> memref<20000xi32, #tpu.memory_space<hbm>>
        tpu.wait_dma2 semaphore(%run_scoped3A : memref<!tpu.dma_semaphore, #tpu.memory_space<semaphore_mem>>) src(%dma_wait3A_136 : memref<20000xi32, #tpu.memory_space<hbm>>) dst(%arg6 : memref<20000xi32, #tpu.memory_space<vmem>>)
        tpu.yield
      }) : () -> ()
    } else {
    }
    %barrier3A = arith.constant 0 : index
    tpu.barrier barrier_id(%barrier3A)
    %dma_start3A = arith.constant 0 : i32
    %dma_start3A_51 = arith.constant 0 : i32
    %dma_start3A_52 = arith.constant 0 : i32
    %dma_start3A_53 = tpu.memref_slice %arg7[%dma_start3A, %dma_start3A_51, %dma_start3A_52] : memref<5x40x128xf32, #tpu.memory_space<vmem>> -> memref<1x40x128xf32, #tpu.memory_space<vmem>>
    %dma_start3A_54 = tpu.memref_squeeze %dma_start3A_53 : memref<1x40x128xf32, #tpu.memory_space<vmem>> -> memref<40x128xf32, #tpu.memory_space<vmem>>
    %dma_start3A_55 = arith.constant 0 : i32
    %dma_start3A_56 = tpu.memref_slice %arg6[%dma_start3A_55] : memref<20000xi32, #tpu.memory_space<vmem>> -> memref<40xi32, #tpu.memory_space<vmem>>
    %dma_start3A_57 = arith.constant 0 : i32
    %dma_start3A_58 = arith.constant 0 : i32
    %dma_start3A_59 = tpu.memref_slice %arg8[%dma_start3A_57, %dma_start3A_58] : memref<10000x128xf32, #tpu.memory_space<vmem_shared>> -> memref<10000x128xf32, #tpu.memory_space<vmem_shared>>
    tpu.enqueue_indirect_dma source(%dma_start3A_59 : memref<10000x128xf32, #tpu.memory_space<vmem_shared>>) target(%dma_start3A_54 : memref<40x128xf32, #tpu.memory_space<vmem>>) offsets(%dma_start3A_56 : memref<40xi32, #tpu.memory_space<vmem>>) semaphore(%arg9 : memref<!tpu.dma_semaphore, #tpu.memory_space<semaphore_mem>>)
    %dma_start3A_60 = arith.constant 1 : i32
    %dma_start3A_61 = arith.constant 0 : i32
    %dma_start3A_62 = arith.constant 0 : i32
    %dma_start3A_63 = tpu.memref_slice %arg7[%dma_start3A_60, %dma_start3A_61, %dma_start3A_62] : memref<5x40x128xf32, #tpu.memory_space<vmem>> -> memref<1x40x128xf32, #tpu.memory_space<vmem>>
    %dma_start3A_64 = tpu.memref_squeeze %dma_start3A_63 : memref<1x40x128xf32, #tpu.memory_space<vmem>> -> memref<40x128xf32, #tpu.memory_space<vmem>>
    %dma_start3A_65 = arith.constant 40 : i32
    %dma_start3A_66 = tpu.memref_slice %arg6[%dma_start3A_65] : memref<20000xi32, #tpu.memory_space<vmem>> -> memref<40xi32, #tpu.memory_space<vmem>>
    %dma_start3A_67 = arith.constant 0 : i32
    %dma_start3A_68 = arith.constant 0 : i32
    %dma_start3A_69 = tpu.memref_slice %arg8[%dma_start3A_67, %dma_start3A_68] : memref<10000x128xf32, #tpu.memory_space<vmem_shared>> -> memref<10000x128xf32, #tpu.memory_space<vmem_shared>>
    tpu.enqueue_indirect_dma source(%dma_start3A_69 : memref<10000x128xf32, #tpu.memory_space<vmem_shared>>) target(%dma_start3A_64 : memref<40x128xf32, #tpu.memory_space<vmem>>) offsets(%dma_start3A_66 : memref<40xi32, #tpu.memory_space<vmem>>) semaphore(%arg10 : memref<!tpu.dma_semaphore, #tpu.memory_space<semaphore_mem>>)
    %dma_start3A_70 = arith.constant 2 : i32
    %dma_start3A_71 = arith.constant 0 : i32
    %dma_start3A_72 = arith.constant 0 : i32
    %dma_start3A_73 = tpu.memref_slice %arg7[%dma_start3A_70, %dma_start3A_71, %dma_start3A_72] : memref<5x40x128xf32, #tpu.memory_space<vmem>> -> memref<1x40x128xf32, #tpu.memory_space<vmem>>
    %dma_start3A_74 = tpu.memref_squeeze %dma_start3A_73 : memref<1x40x128xf32, #tpu.memory_space<vmem>> -> memref<40x128xf32, #tpu.memory_space<vmem>>
    %dma_start3A_75 = arith.constant 80 : i32
    %dma_start3A_76 = tpu.memref_slice %arg6[%dma_start3A_75] : memref<20000xi32, #tpu.memory_space<vmem>> -> memref<40xi32, #tpu.memory_space<vmem>>
    %dma_start3A_77 = arith.constant 0 : i32
    %dma_start3A_78 = arith.constant 0 : i32
    %dma_start3A_79 = tpu.memref_slice %arg8[%dma_start3A_77, %dma_start3A_78] : memref<10000x128xf32, #tpu.memory_space<vmem_shared>> -> memref<10000x128xf32, #tpu.memory_space<vmem_shared>>
    tpu.enqueue_indirect_dma source(%dma_start3A_79 : memref<10000x128xf32, #tpu.memory_space<vmem_shared>>) target(%dma_start3A_74 : memref<40x128xf32, #tpu.memory_space<vmem>>) offsets(%dma_start3A_76 : memref<40xi32, #tpu.memory_space<vmem>>) semaphore(%arg11 : memref<!tpu.dma_semaphore, #tpu.memory_space<semaphore_mem>>)
    %scan3A = arith.constant 0 : i32
    %scan3A_80 = arith.constant 0 : i32
    %scan3A_81 = arith.constant 100 : i32
    %scan3A_82 = arith.addi %scan3A_80, %scan3A_81 : i32
    %scan3A_83 = arith.constant 1 : i32
    %scan3A_84 = scf.for %scan3A_115 = %scan3A_80 to %scan3A_82 step %scan3A_83 iter_args(%scan3A_116 = %scan3A) -> (i32)  : i32 {
      %mul3A_117 = arith.constant 5 : i32
      %mul3A_118 = arith.muli %mul3A_117, %scan3A_115 : i32
      %add3A_119 = arith.constant 0 : i32
      %add3A_120 = arith.addi %mul3A_118, %add3A_119 : i32
      %mul3A_121 = arith.constant 40 : i32
      %mul3A_122 = arith.muli %add3A_120, %mul3A_121 : i32
      %dma_wait3A_123 = arith.constant 0 : i32
      %dma_wait3A_124 = arith.constant 0 : i32
      %dma_wait3A_125 = arith.constant 0 : i32
      %dma_wait3A_126 = tpu.memref_slice %arg7[%dma_wait3A_123, %dma_wait3A_124, %dma_wait3A_125] : memref<5x40x128xf32, #tpu.memory_space<vmem>> -> memref<1x40x128xf32, #tpu.memory_space<vmem>>
      %dma_wait3A_127 = tpu.memref_squeeze %dma_wait3A_126 : memref<1x40x128xf32, #tpu.memory_space<vmem>> -> memref<40x128xf32, #tpu.memory_space<vmem>>
      %dma_wait3A_128 = tpu.memref_slice %arg6[%mul3A_122] : memref<20000xi32, #tpu.memory_space<vmem>> -> memref<40xi32, #tpu.memory_space<vmem>>
      %dma_wait3A_129 = arith.constant 0 : i32
      %dma_wait3A_130 = arith.constant 0 : i32
      %dma_wait3A_131 = tpu.memref_slice %arg8[%dma_wait3A_129, %dma_wait3A_130] : memref<10000x128xf32, #tpu.memory_space<vmem_shared>> -> memref<10000x128xf32, #tpu.memory_space<vmem_shared>>
      tpu.wait_indirect_dma semaphore(%arg9 : memref<!tpu.dma_semaphore, #tpu.memory_space<semaphore_mem>>) src(%dma_wait3A_131 : memref<10000x128xf32, #tpu.memory_space<vmem_shared>>) dst(%dma_wait3A_127 : memref<40x128xf32, #tpu.memory_space<vmem>>)
      %mul3A_132 = arith.constant 40 : i32
      %mul3A_133 = arith.muli %add3A_120, %mul3A_132 : i32
      %add3A_134 = arith.addi %mul3A_34, %mul3A_133 : i32
      %dma_start3A_135 = arith.constant 0 : i32
      %dma_start3A_136 = arith.constant 0 : i32
      %dma_start3A_137 = arith.constant 0 : i32
      %dma_start3A_138 = tpu.memref_slice %arg7[%dma_start3A_135, %dma_start3A_136, %dma_start3A_137] : memref<5x40x128xf32, #tpu.memory_space<vmem>> -> memref<1x40x128xf32, #tpu.memory_space<vmem>>
      %dma_start3A_139 = tpu.memref_squeeze %dma_start3A_138 : memref<1x40x128xf32, #tpu.memory_space<vmem>> -> memref<40x128xf32, #tpu.memory_space<vmem>>
      %dma_start3A_140 = tpu.memref_slice %arg5[%add3A_134, %mul3A_18] : memref<320000x256xf32, #tpu.memory_space<hbm>> -> memref<40x128xf32, #tpu.memory_space<hbm>>
      %dma_start3A_141 = tpu.memref_slice %arg5[%add3A_134, %mul3A_18] : memref<320000x256xf32, #tpu.memory_space<hbm>> -> memref<40x128xf32, #tpu.memory_space<hbm>>
      %dma_start3A_142 = arith.constant 0 : i32
      %dma_start3A_143 = arith.constant 0 : i32
      %dma_start3A_144 = tpu.memref_slice %arg7[%dma_start3A_135, %dma_start3A_142, %dma_start3A_143] : memref<5x40x128xf32, #tpu.memory_space<vmem>> -> memref<1x40x128xf32, #tpu.memory_space<vmem>>
      %dma_start3A_145 = tpu.memref_squeeze %dma_start3A_144 : memref<1x40x128xf32, #tpu.memory_space<vmem>> -> memref<40x128xf32, #tpu.memory_space<vmem>>
      tpu.enqueue_dma source(%dma_start3A_145 : memref<40x128xf32, #tpu.memory_space<vmem>>) target(%dma_start3A_141 : memref<40x128xf32, #tpu.memory_space<hbm>>) target_semaphore(%arg14 : memref<!tpu.dma_semaphore, #tpu.memory_space<semaphore_mem>>)
      %ge3A_146 = arith.constant 2 : i32
      %ge3A_147 = arith.cmpi sge, %add3A_120, %ge3A_146 : i32
      %convert_element_type3A_148 = arith.extui %ge3A_147 : i1 to i32
      %cond3A_149 = arith.constant 0 : i32
      %cond3A_150 = arith.cmpi ne, %convert_element_type3A_148, %cond3A_149 : i32
      scf.if %cond3A_150 {
        %dma_wait3A_323 = arith.constant 3 : i32
        %dma_wait3A_324 = arith.constant 0 : i32
        %dma_wait3A_325 = arith.constant 0 : i32
        %dma_wait3A_326 = tpu.memref_slice %arg7[%dma_wait3A_323, %dma_wait3A_324, %dma_wait3A_325] : memref<5x40x128xf32, #tpu.memory_space<vmem>> -> memref<1x40x128xf32, #tpu.memory_space<vmem>>
        %dma_wait3A_327 = tpu.memref_squeeze %dma_wait3A_326 : memref<1x40x128xf32, #tpu.memory_space<vmem>> -> memref<40x128xf32, #tpu.memory_space<vmem>>
        %dma_wait3A_328 = arith.constant 0 : i32
        %dma_wait3A_329 = arith.constant 0 : i32
        %dma_wait3A_330 = tpu.memref_slice %arg5[%dma_wait3A_328, %dma_wait3A_329] : memref<320000x256xf32, #tpu.memory_space<hbm>> -> memref<40x128xf32, #tpu.memory_space<hbm>>
        %dma_wait3A_331 = arith.constant 0 : i32
        %dma_wait3A_332 = arith.constant 0 : i32
        %dma_wait3A_333 = tpu.memref_slice %arg5[%dma_wait3A_331, %dma_wait3A_332] : memref<320000x256xf32, #tpu.memory_space<hbm>> -> memref<40x128xf32, #tpu.memory_space<hbm>>
        %dma_wait3A_334 = arith.constant 0 : i32
        %dma_wait3A_335 = arith.constant 0 : i32
        %dma_wait3A_336 = tpu.memref_slice %arg7[%dma_wait3A_323, %dma_wait3A_334, %dma_wait3A_335] : memref<5x40x128xf32, #tpu.memory_space<vmem>> -> memref<1x40x128xf32, #tpu.memory_space<vmem>>
        %dma_wait3A_337 = tpu.memref_squeeze %dma_wait3A_336 : memref<1x40x128xf32, #tpu.memory_space<vmem>> -> memref<40x128xf32, #tpu.memory_space<vmem>>
        tpu.wait_dma2 semaphore(%arg17 : memref<!tpu.dma_semaphore, #tpu.memory_space<semaphore_mem>>) src(%dma_wait3A_337 : memref<40x128xf32, #tpu.memory_space<vmem>>) dst(%dma_wait3A_333 : memref<40x128xf32, #tpu.memory_space<hbm>>)
      } else {
      }
      %add3A_151 = arith.constant 3 : i32
      %add3A_152 = arith.addi %add3A_120, %add3A_151 : i32
      %lt3A_153 = arith.constant 500 : i32
      %lt3A_154 = arith.cmpi slt, %add3A_152, %lt3A_153 : i32
      %convert_element_type3A_155 = arith.extui %lt3A_154 : i1 to i32
      %cond3A_156 = arith.constant 0 : i32
      %cond3A_157 = arith.cmpi ne, %convert_element_type3A_155, %cond3A_156 : i32
      scf.if %cond3A_157 {
        %add3A_323 = arith.constant 3 : i32
        %add3A_324 = arith.addi %add3A_120, %add3A_323 : i32
        %mul3A_325 = arith.constant 40 : i32
        %mul3A_326 = arith.muli %add3A_324, %mul3A_325 : i32
        %dma_start3A_327 = arith.constant 3 : i32
        %dma_start3A_328 = arith.constant 0 : i32
        %dma_start3A_329 = arith.constant 0 : i32
        %dma_start3A_330 = tpu.memref_slice %arg7[%dma_start3A_327, %dma_start3A_328, %dma_start3A_329] : memref<5x40x128xf32, #tpu.memory_space<vmem>> -> memref<1x40x128xf32, #tpu.memory_space<vmem>>
        %dma_start3A_331 = tpu.memref_squeeze %dma_start3A_330 : memref<1x40x128xf32, #tpu.memory_space<vmem>> -> memref<40x128xf32, #tpu.memory_space<vmem>>
        %dma_start3A_332 = tpu.memref_slice %arg6[%mul3A_326] : memref<20000xi32, #tpu.memory_space<vmem>> -> memref<40xi32, #tpu.memory_space<vmem>>
        %dma_start3A_333 = arith.constant 0 : i32
        %dma_start3A_334 = arith.constant 0 : i32
        %dma_start3A_335 = tpu.memref_slice %arg8[%dma_start3A_333, %dma_start3A_334] : memref<10000x128xf32, #tpu.memory_space<vmem_shared>> -> memref<10000x128xf32, #tpu.memory_space<vmem_shared>>
        tpu.enqueue_indirect_dma source(%dma_start3A_335 : memref<10000x128xf32, #tpu.memory_space<vmem_shared>>) target(%dma_start3A_331 : memref<40x128xf32, #tpu.memory_space<vmem>>) offsets(%dma_start3A_332 : memref<40xi32, #tpu.memory_space<vmem>>) semaphore(%arg12 : memref<!tpu.dma_semaphore, #tpu.memory_space<semaphore_mem>>)
      } else {
      }
      %mul3A_158 = arith.constant 5 : i32
      %mul3A_159 = arith.muli %mul3A_158, %scan3A_115 : i32
      %add3A_160 = arith.constant 1 : i32
      %add3A_161 = arith.addi %mul3A_159, %add3A_160 : i32
      %mul3A_162 = arith.constant 40 : i32
      %mul3A_163 = arith.muli %add3A_161, %mul3A_162 : i32
      %dma_wait3A_164 = arith.constant 1 : i32
      %dma_wait3A_165 = arith.constant 0 : i32
      %dma_wait3A_166 = arith.constant 0 : i32
      %dma_wait3A_167 = tpu.memref_slice %arg7[%dma_wait3A_164, %dma_wait3A_165, %dma_wait3A_166] : memref<5x40x128xf32, #tpu.memory_space<vmem>> -> memref<1x40x128xf32, #tpu.memory_space<vmem>>
      %dma_wait3A_168 = tpu.memref_squeeze %dma_wait3A_167 : memref<1x40x128xf32, #tpu.memory_space<vmem>> -> memref<40x128xf32, #tpu.memory_space<vmem>>
      %dma_wait3A_169 = tpu.memref_slice %arg6[%mul3A_163] : memref<20000xi32, #tpu.memory_space<vmem>> -> memref<40xi32, #tpu.memory_space<vmem>>
      %dma_wait3A_170 = arith.constant 0 : i32
      %dma_wait3A_171 = arith.constant 0 : i32
      %dma_wait3A_172 = tpu.memref_slice %arg8[%dma_wait3A_170, %dma_wait3A_171] : memref<10000x128xf32, #tpu.memory_space<vmem_shared>> -> memref<10000x128xf32, #tpu.memory_space<vmem_shared>>
      tpu.wait_indirect_dma semaphore(%arg10 : memref<!tpu.dma_semaphore, #tpu.memory_space<semaphore_mem>>) src(%dma_wait3A_172 : memref<10000x128xf32, #tpu.memory_space<vmem_shared>>) dst(%dma_wait3A_168 : memref<40x128xf32, #tpu.memory_space<vmem>>)
      %mul3A_173 = arith.constant 40 : i32
      %mul3A_174 = arith.muli %add3A_161, %mul3A_173 : i32
      %add3A_175 = arith.addi %mul3A_34, %mul3A_174 : i32
      %dma_start3A_176 = arith.constant 1 : i32
      %dma_start3A_177 = arith.constant 0 : i32
      %dma_start3A_178 = arith.constant 0 : i32
      %dma_start3A_179 = tpu.memref_slice %arg7[%dma_start3A_176, %dma_start3A_177, %dma_start3A_178] : memref<5x40x128xf32, #tpu.memory_space<vmem>> -> memref<1x40x128xf32, #tpu.memory_space<vmem>>
      %dma_start3A_180 = tpu.memref_squeeze %dma_start3A_179 : memref<1x40x128xf32, #tpu.memory_space<vmem>> -> memref<40x128xf32, #tpu.memory_space<vmem>>
      %dma_start3A_181 = tpu.memref_slice %arg5[%add3A_175, %mul3A_18] : memref<320000x256xf32, #tpu.memory_space<hbm>> -> memref<40x128xf32, #tpu.memory_space<hbm>>
      %dma_start3A_182 = tpu.memref_slice %arg5[%add3A_175, %mul3A_18] : memref<320000x256xf32, #tpu.memory_space<hbm>> -> memref<40x128xf32, #tpu.memory_space<hbm>>
      %dma_start3A_183 = arith.constant 0 : i32
      %dma_start3A_184 = arith.constant 0 : i32
      %dma_start3A_185 = tpu.memref_slice %arg7[%dma_start3A_176, %dma_start3A_183, %dma_start3A_184] : memref<5x40x128xf32, #tpu.memory_space<vmem>> -> memref<1x40x128xf32, #tpu.memory_space<vmem>>
      %dma_start3A_186 = tpu.memref_squeeze %dma_start3A_185 : memref<1x40x128xf32, #tpu.memory_space<vmem>> -> memref<40x128xf32, #tpu.memory_space<vmem>>
      tpu.enqueue_dma source(%dma_start3A_186 : memref<40x128xf32, #tpu.memory_space<vmem>>) target(%dma_start3A_182 : memref<40x128xf32, #tpu.memory_space<hbm>>) target_semaphore(%arg15 : memref<!tpu.dma_semaphore, #tpu.memory_space<semaphore_mem>>)
      %ge3A_187 = arith.constant 2 : i32
      %ge3A_188 = arith.cmpi sge, %add3A_161, %ge3A_187 : i32
      %convert_element_type3A_189 = arith.extui %ge3A_188 : i1 to i32
      %cond3A_190 = arith.constant 0 : i32
      %cond3A_191 = arith.cmpi ne, %convert_element_type3A_189, %cond3A_190 : i32
      scf.if %cond3A_191 {
        %dma_wait3A_323 = arith.constant 4 : i32
        %dma_wait3A_324 = arith.constant 0 : i32
        %dma_wait3A_325 = arith.constant 0 : i32
        %dma_wait3A_326 = tpu.memref_slice %arg7[%dma_wait3A_323, %dma_wait3A_324, %dma_wait3A_325] : memref<5x40x128xf32, #tpu.memory_space<vmem>> -> memref<1x40x128xf32, #tpu.memory_space<vmem>>
        %dma_wait3A_327 = tpu.memref_squeeze %dma_wait3A_326 : memref<1x40x128xf32, #tpu.memory_space<vmem>> -> memref<40x128xf32, #tpu.memory_space<vmem>>
        %dma_wait3A_328 = arith.constant 0 : i32
        %dma_wait3A_329 = arith.constant 0 : i32
        %dma_wait3A_330 = tpu.memref_slice %arg5[%dma_wait3A_328, %dma_wait3A_329] : memref<320000x256xf32, #tpu.memory_space<hbm>> -> memref<40x128xf32, #tpu.memory_space<hbm>>
        %dma_wait3A_331 = arith.constant 0 : i32
        %dma_wait3A_332 = arith.constant 0 : i32
        %dma_wait3A_333 = tpu.memref_slice %arg5[%dma_wait3A_331, %dma_wait3A_332] : memref<320000x256xf32, #tpu.memory_space<hbm>> -> memref<40x128xf32, #tpu.memory_space<hbm>>
        %dma_wait3A_334 = arith.constant 0 : i32
        %dma_wait3A_335 = arith.constant 0 : i32
        %dma_wait3A_336 = tpu.memref_slice %arg7[%dma_wait3A_323, %dma_wait3A_334, %dma_wait3A_335] : memref<5x40x128xf32, #tpu.memory_space<vmem>> -> memref<1x40x128xf32, #tpu.memory_space<vmem>>
        %dma_wait3A_337 = tpu.memref_squeeze %dma_wait3A_336 : memref<1x40x128xf32, #tpu.memory_space<vmem>> -> memref<40x128xf32, #tpu.memory_space<vmem>>
        tpu.wait_dma2 semaphore(%arg18 : memref<!tpu.dma_semaphore, #tpu.memory_space<semaphore_mem>>) src(%dma_wait3A_337 : memref<40x128xf32, #tpu.memory_space<vmem>>) dst(%dma_wait3A_333 : memref<40x128xf32, #tpu.memory_space<hbm>>)
      } else {
      }
      %add3A_192 = arith.constant 3 : i32
      %add3A_193 = arith.addi %add3A_161, %add3A_192 : i32
      %lt3A_194 = arith.constant 500 : i32
      %lt3A_195 = arith.cmpi slt, %add3A_193, %lt3A_194 : i32
      %convert_element_type3A_196 = arith.extui %lt3A_195 : i1 to i32
      %cond3A_197 = arith.constant 0 : i32
      %cond3A_198 = arith.cmpi ne, %convert_element_type3A_196, %cond3A_197 : i32
      scf.if %cond3A_198 {
        %add3A_323 = arith.constant 3 : i32
        %add3A_324 = arith.addi %add3A_161, %add3A_323 : i32
        %mul3A_325 = arith.constant 40 : i32
        %mul3A_326 = arith.muli %add3A_324, %mul3A_325 : i32
        %dma_start3A_327 = arith.constant 4 : i32
        %dma_start3A_328 = arith.constant 0 : i32
        %dma_start3A_329 = arith.constant 0 : i32
        %dma_start3A_330 = tpu.memref_slice %arg7[%dma_start3A_327, %dma_start3A_328, %dma_start3A_329] : memref<5x40x128xf32, #tpu.memory_space<vmem>> -> memref<1x40x128xf32, #tpu.memory_space<vmem>>
        %dma_start3A_331 = tpu.memref_squeeze %dma_start3A_330 : memref<1x40x128xf32, #tpu.memory_space<vmem>> -> memref<40x128xf32, #tpu.memory_space<vmem>>
        %dma_start3A_332 = tpu.memref_slice %arg6[%mul3A_326] : memref<20000xi32, #tpu.memory_space<vmem>> -> memref<40xi32, #tpu.memory_space<vmem>>
        %dma_start3A_333 = arith.constant 0 : i32
        %dma_start3A_334 = arith.constant 0 : i32
        %dma_start3A_335 = tpu.memref_slice %arg8[%dma_start3A_333, %dma_start3A_334] : memref<10000x128xf32, #tpu.memory_space<vmem_shared>> -> memref<10000x128xf32, #tpu.memory_space<vmem_shared>>
        tpu.enqueue_indirect_dma source(%dma_start3A_335 : memref<10000x128xf32, #tpu.memory_space<vmem_shared>>) target(%dma_start3A_331 : memref<40x128xf32, #tpu.memory_space<vmem>>) offsets(%dma_start3A_332 : memref<40xi32, #tpu.memory_space<vmem>>) semaphore(%arg13 : memref<!tpu.dma_semaphore, #tpu.memory_space<semaphore_mem>>)
      } else {
      }
      %mul3A_199 = arith.constant 5 : i32
      %mul3A_200 = arith.muli %mul3A_199, %scan3A_115 : i32
      %add3A_201 = arith.constant 2 : i32
      %add3A_202 = arith.addi %mul3A_200, %add3A_201 : i32
      %mul3A_203 = arith.constant 40 : i32
      %mul3A_204 = arith.muli %add3A_202, %mul3A_203 : i32
      %dma_wait3A_205 = arith.constant 2 : i32
      %dma_wait3A_206 = arith.constant 0 : i32
      %dma_wait3A_207 = arith.constant 0 : i32
      %dma_wait3A_208 = tpu.memref_slice %arg7[%dma_wait3A_205, %dma_wait3A_206, %dma_wait3A_207] : memref<5x40x128xf32, #tpu.memory_space<vmem>> -> memref<1x40x128xf32, #tpu.memory_space<vmem>>
      %dma_wait3A_209 = tpu.memref_squeeze %dma_wait3A_208 : memref<1x40x128xf32, #tpu.memory_space<vmem>> -> memref<40x128xf32, #tpu.memory_space<vmem>>
      %dma_wait3A_210 = tpu.memref_slice %arg6[%mul3A_204] : memref<20000xi32, #tpu.memory_space<vmem>> -> memref<40xi32, #tpu.memory_space<vmem>>
      %dma_wait3A_211 = arith.constant 0 : i32
      %dma_wait3A_212 = arith.constant 0 : i32
      %dma_wait3A_213 = tpu.memref_slice %arg8[%dma_wait3A_211, %dma_wait3A_212] : memref<10000x128xf32, #tpu.memory_space<vmem_shared>> -> memref<10000x128xf32, #tpu.memory_space<vmem_shared>>
      tpu.wait_indirect_dma semaphore(%arg11 : memref<!tpu.dma_semaphore, #tpu.memory_space<semaphore_mem>>) src(%dma_wait3A_213 : memref<10000x128xf32, #tpu.memory_space<vmem_shared>>) dst(%dma_wait3A_209 : memref<40x128xf32, #tpu.memory_space<vmem>>)
      %mul3A_214 = arith.constant 40 : i32
      %mul3A_215 = arith.muli %add3A_202, %mul3A_214 : i32
      %add3A_216 = arith.addi %mul3A_34, %mul3A_215 : i32
      %dma_start3A_217 = arith.constant 2 : i32
      %dma_start3A_218 = arith.constant 0 : i32
      %dma_start3A_219 = arith.constant 0 : i32
      %dma_start3A_220 = tpu.memref_slice %arg7[%dma_start3A_217, %dma_start3A_218, %dma_start3A_219] : memref<5x40x128xf32, #tpu.memory_space<vmem>> -> memref<1x40x128xf32, #tpu.memory_space<vmem>>
      %dma_start3A_221 = tpu.memref_squeeze %dma_start3A_220 : memref<1x40x128xf32, #tpu.memory_space<vmem>> -> memref<40x128xf32, #tpu.memory_space<vmem>>
      %dma_start3A_222 = tpu.memref_slice %arg5[%add3A_216, %mul3A_18] : memref<320000x256xf32, #tpu.memory_space<hbm>> -> memref<40x128xf32, #tpu.memory_space<hbm>>
      %dma_start3A_223 = tpu.memref_slice %arg5[%add3A_216, %mul3A_18] : memref<320000x256xf32, #tpu.memory_space<hbm>> -> memref<40x128xf32, #tpu.memory_space<hbm>>
      %dma_start3A_224 = arith.constant 0 : i32
      %dma_start3A_225 = arith.constant 0 : i32
      %dma_start3A_226 = tpu.memref_slice %arg7[%dma_start3A_217, %dma_start3A_224, %dma_start3A_225] : memref<5x40x128xf32, #tpu.memory_space<vmem>> -> memref<1x40x128xf32, #tpu.memory_space<vmem>>
      %dma_start3A_227 = tpu.memref_squeeze %dma_start3A_226 : memref<1x40x128xf32, #tpu.memory_space<vmem>> -> memref<40x128xf32, #tpu.memory_space<vmem>>
      tpu.enqueue_dma source(%dma_start3A_227 : memref<40x128xf32, #tpu.memory_space<vmem>>) target(%dma_start3A_223 : memref<40x128xf32, #tpu.memory_space<hbm>>) target_semaphore(%arg16 : memref<!tpu.dma_semaphore, #tpu.memory_space<semaphore_mem>>)
      %ge3A_228 = arith.constant 2 : i32
      %ge3A_229 = arith.cmpi sge, %add3A_202, %ge3A_228 : i32
      %convert_element_type3A_230 = arith.extui %ge3A_229 : i1 to i32
      %cond3A_231 = arith.constant 0 : i32
      %cond3A_232 = arith.cmpi ne, %convert_element_type3A_230, %cond3A_231 : i32
      scf.if %cond3A_232 {
        %dma_wait3A_323 = arith.constant 0 : i32
        %dma_wait3A_324 = arith.constant 0 : i32
        %dma_wait3A_325 = arith.constant 0 : i32
        %dma_wait3A_326 = tpu.memref_slice %arg7[%dma_wait3A_323, %dma_wait3A_324, %dma_wait3A_325] : memref<5x40x128xf32, #tpu.memory_space<vmem>> -> memref<1x40x128xf32, #tpu.memory_space<vmem>>
        %dma_wait3A_327 = tpu.memref_squeeze %dma_wait3A_326 : memref<1x40x128xf32, #tpu.memory_space<vmem>> -> memref<40x128xf32, #tpu.memory_space<vmem>>
        %dma_wait3A_328 = arith.constant 0 : i32
        %dma_wait3A_329 = arith.constant 0 : i32
        %dma_wait3A_330 = tpu.memref_slice %arg5[%dma_wait3A_328, %dma_wait3A_329] : memref<320000x256xf32, #tpu.memory_space<hbm>> -> memref<40x128xf32, #tpu.memory_space<hbm>>
        %dma_wait3A_331 = arith.constant 0 : i32
        %dma_wait3A_332 = arith.constant 0 : i32
        %dma_wait3A_333 = tpu.memref_slice %arg5[%dma_wait3A_331, %dma_wait3A_332] : memref<320000x256xf32, #tpu.memory_space<hbm>> -> memref<40x128xf32, #tpu.memory_space<hbm>>
        %dma_wait3A_334 = arith.constant 0 : i32
        %dma_wait3A_335 = arith.constant 0 : i32
        %dma_wait3A_336 = tpu.memref_slice %arg7[%dma_wait3A_323, %dma_wait3A_334, %dma_wait3A_335] : memref<5x40x128xf32, #tpu.memory_space<vmem>> -> memref<1x40x128xf32, #tpu.memory_space<vmem>>
        %dma_wait3A_337 = tpu.memref_squeeze %dma_wait3A_336 : memref<1x40x128xf32, #tpu.memory_space<vmem>> -> memref<40x128xf32, #tpu.memory_space<vmem>>
        tpu.wait_dma2 semaphore(%arg14 : memref<!tpu.dma_semaphore, #tpu.memory_space<semaphore_mem>>) src(%dma_wait3A_337 : memref<40x128xf32, #tpu.memory_space<vmem>>) dst(%dma_wait3A_333 : memref<40x128xf32, #tpu.memory_space<hbm>>)
      } else {
      }
      %add3A_233 = arith.constant 3 : i32
      %add3A_234 = arith.addi %add3A_202, %add3A_233 : i32
      %lt3A_235 = arith.constant 500 : i32
      %lt3A_236 = arith.cmpi slt, %add3A_234, %lt3A_235 : i32
      %convert_element_type3A_237 = arith.extui %lt3A_236 : i1 to i32
      %cond3A_238 = arith.constant 0 : i32
      %cond3A_239 = arith.cmpi ne, %convert_element_type3A_237, %cond3A_238 : i32
      scf.if %cond3A_239 {
        %add3A_323 = arith.constant 3 : i32
        %add3A_324 = arith.addi %add3A_202, %add3A_323 : i32
        %mul3A_325 = arith.constant 40 : i32
        %mul3A_326 = arith.muli %add3A_324, %mul3A_325 : i32
        %dma_start3A_327 = arith.constant 0 : i32
        %dma_start3A_328 = arith.constant 0 : i32
        %dma_start3A_329 = arith.constant 0 : i32
        %dma_start3A_330 = tpu.memref_slice %arg7[%dma_start3A_327, %dma_start3A_328, %dma_start3A_329] : memref<5x40x128xf32, #tpu.memory_space<vmem>> -> memref<1x40x128xf32, #tpu.memory_space<vmem>>
        %dma_start3A_331 = tpu.memref_squeeze %dma_start3A_330 : memref<1x40x128xf32, #tpu.memory_space<vmem>> -> memref<40x128xf32, #tpu.memory_space<vmem>>
        %dma_start3A_332 = tpu.memref_slice %arg6[%mul3A_326] : memref<20000xi32, #tpu.memory_space<vmem>> -> memref<40xi32, #tpu.memory_space<vmem>>
        %dma_start3A_333 = arith.constant 0 : i32
        %dma_start3A_334 = arith.constant 0 : i32
        %dma_start3A_335 = tpu.memref_slice %arg8[%dma_start3A_333, %dma_start3A_334] : memref<10000x128xf32, #tpu.memory_space<vmem_shared>> -> memref<10000x128xf32, #tpu.memory_space<vmem_shared>>
        tpu.enqueue_indirect_dma source(%dma_start3A_335 : memref<10000x128xf32, #tpu.memory_space<vmem_shared>>) target(%dma_start3A_331 : memref<40x128xf32, #tpu.memory_space<vmem>>) offsets(%dma_start3A_332 : memref<40xi32, #tpu.memory_space<vmem>>) semaphore(%arg9 : memref<!tpu.dma_semaphore, #tpu.memory_space<semaphore_mem>>)
      } else {
      }
      %mul3A_240 = arith.constant 5 : i32
      %mul3A_241 = arith.muli %mul3A_240, %scan3A_115 : i32
      %add3A_242 = arith.constant 3 : i32
      %add3A_243 = arith.addi %mul3A_241, %add3A_242 : i32
      %mul3A_244 = arith.constant 40 : i32
      %mul3A_245 = arith.muli %add3A_243, %mul3A_244 : i32
      %dma_wait3A_246 = arith.constant 3 : i32
      %dma_wait3A_247 = arith.constant 0 : i32
      %dma_wait3A_248 = arith.constant 0 : i32
      %dma_wait3A_249 = tpu.memref_slice %arg7[%dma_wait3A_246, %dma_wait3A_247, %dma_wait3A_248] : memref<5x40x128xf32, #tpu.memory_space<vmem>> -> memref<1x40x128xf32, #tpu.memory_space<vmem>>
      %dma_wait3A_250 = tpu.memref_squeeze %dma_wait3A_249 : memref<1x40x128xf32, #tpu.memory_space<vmem>> -> memref<40x128xf32, #tpu.memory_space<vmem>>
      %dma_wait3A_251 = tpu.memref_slice %arg6[%mul3A_245] : memref<20000xi32, #tpu.memory_space<vmem>> -> memref<40xi32, #tpu.memory_space<vmem>>
      %dma_wait3A_252 = arith.constant 0 : i32
      %dma_wait3A_253 = arith.constant 0 : i32
      %dma_wait3A_254 = tpu.memref_slice %arg8[%dma_wait3A_252, %dma_wait3A_253] : memref<10000x128xf32, #tpu.memory_space<vmem_shared>> -> memref<10000x128xf32, #tpu.memory_space<vmem_shared>>
      tpu.wait_indirect_dma semaphore(%arg12 : memref<!tpu.dma_semaphore, #tpu.memory_space<semaphore_mem>>) src(%dma_wait3A_254 : memref<10000x128xf32, #tpu.memory_space<vmem_shared>>) dst(%dma_wait3A_250 : memref<40x128xf32, #tpu.memory_space<vmem>>)
      %mul3A_255 = arith.constant 40 : i32
      %mul3A_256 = arith.muli %add3A_243, %mul3A_255 : i32
      %add3A_257 = arith.addi %mul3A_34, %mul3A_256 : i32
      %dma_start3A_258 = arith.constant 3 : i32
      %dma_start3A_259 = arith.constant 0 : i32
      %dma_start3A_260 = arith.constant 0 : i32
      %dma_start3A_261 = tpu.memref_slice %arg7[%dma_start3A_258, %dma_start3A_259, %dma_start3A_260] : memref<5x40x128xf32, #tpu.memory_space<vmem>> -> memref<1x40x128xf32, #tpu.memory_space<vmem>>
      %dma_start3A_262 = tpu.memref_squeeze %dma_start3A_261 : memref<1x40x128xf32, #tpu.memory_space<vmem>> -> memref<40x128xf32, #tpu.memory_space<vmem>>
      %dma_start3A_263 = tpu.memref_slice %arg5[%add3A_257, %mul3A_18] : memref<320000x256xf32, #tpu.memory_space<hbm>> -> memref<40x128xf32, #tpu.memory_space<hbm>>
      %dma_start3A_264 = tpu.memref_slice %arg5[%add3A_257, %mul3A_18] : memref<320000x256xf32, #tpu.memory_space<hbm>> -> memref<40x128xf32, #tpu.memory_space<hbm>>
      %dma_start3A_265 = arith.constant 0 : i32
      %dma_start3A_266 = arith.constant 0 : i32
      %dma_start3A_267 = tpu.memref_slice %arg7[%dma_start3A_258, %dma_start3A_265, %dma_start3A_266] : memref<5x40x128xf32, #tpu.memory_space<vmem>> -> memref<1x40x128xf32, #tpu.memory_space<vmem>>
      %dma_start3A_268 = tpu.memref_squeeze %dma_start3A_267 : memref<1x40x128xf32, #tpu.memory_space<vmem>> -> memref<40x128xf32, #tpu.memory_space<vmem>>
      tpu.enqueue_dma source(%dma_start3A_268 : memref<40x128xf32, #tpu.memory_space<vmem>>) target(%dma_start3A_264 : memref<40x128xf32, #tpu.memory_space<hbm>>) target_semaphore(%arg17 : memref<!tpu.dma_semaphore, #tpu.memory_space<semaphore_mem>>)
      %ge3A_269 = arith.constant 2 : i32
      %ge3A_270 = arith.cmpi sge, %add3A_243, %ge3A_269 : i32
      %convert_element_type3A_271 = arith.extui %ge3A_270 : i1 to i32
      %cond3A_272 = arith.constant 0 : i32
      %cond3A_273 = arith.cmpi ne, %convert_element_type3A_271, %cond3A_272 : i32
      scf.if %cond3A_273 {
        %dma_wait3A_323 = arith.constant 1 : i32
        %dma_wait3A_324 = arith.constant 0 : i32
        %dma_wait3A_325 = arith.constant 0 : i32
        %dma_wait3A_326 = tpu.memref_slice %arg7[%dma_wait3A_323, %dma_wait3A_324, %dma_wait3A_325] : memref<5x40x128xf32, #tpu.memory_space<vmem>> -> memref<1x40x128xf32, #tpu.memory_space<vmem>>
        %dma_wait3A_327 = tpu.memref_squeeze %dma_wait3A_326 : memref<1x40x128xf32, #tpu.memory_space<vmem>> -> memref<40x128xf32, #tpu.memory_space<vmem>>
        %dma_wait3A_328 = arith.constant 0 : i32
        %dma_wait3A_329 = arith.constant 0 : i32
        %dma_wait3A_330 = tpu.memref_slice %arg5[%dma_wait3A_328, %dma_wait3A_329] : memref<320000x256xf32, #tpu.memory_space<hbm>> -> memref<40x128xf32, #tpu.memory_space<hbm>>
        %dma_wait3A_331 = arith.constant 0 : i32
        %dma_wait3A_332 = arith.constant 0 : i32
        %dma_wait3A_333 = tpu.memref_slice %arg5[%dma_wait3A_331, %dma_wait3A_332] : memref<320000x256xf32, #tpu.memory_space<hbm>> -> memref<40x128xf32, #tpu.memory_space<hbm>>
        %dma_wait3A_334 = arith.constant 0 : i32
        %dma_wait3A_335 = arith.constant 0 : i32
        %dma_wait3A_336 = tpu.memref_slice %arg7[%dma_wait3A_323, %dma_wait3A_334, %dma_wait3A_335] : memref<5x40x128xf32, #tpu.memory_space<vmem>> -> memref<1x40x128xf32, #tpu.memory_space<vmem>>
        %dma_wait3A_337 = tpu.memref_squeeze %dma_wait3A_336 : memref<1x40x128xf32, #tpu.memory_space<vmem>> -> memref<40x128xf32, #tpu.memory_space<vmem>>
        tpu.wait_dma2 semaphore(%arg15 : memref<!tpu.dma_semaphore, #tpu.memory_space<semaphore_mem>>) src(%dma_wait3A_337 : memref<40x128xf32, #tpu.memory_space<vmem>>) dst(%dma_wait3A_333 : memref<40x128xf32, #tpu.memory_space<hbm>>)
      } else {
      }
      %add3A_274 = arith.constant 3 : i32
      %add3A_275 = arith.addi %add3A_243, %add3A_274 : i32
      %lt3A_276 = arith.constant 500 : i32
      %lt3A_277 = arith.cmpi slt, %add3A_275, %lt3A_276 : i32
      %convert_element_type3A_278 = arith.extui %lt3A_277 : i1 to i32
      %cond3A_279 = arith.constant 0 : i32
      %cond3A_280 = arith.cmpi ne, %convert_element_type3A_278, %cond3A_279 : i32
      scf.if %cond3A_280 {
        %add3A_323 = arith.constant 3 : i32
        %add3A_324 = arith.addi %add3A_243, %add3A_323 : i32
        %mul3A_325 = arith.constant 40 : i32
        %mul3A_326 = arith.muli %add3A_324, %mul3A_325 : i32
        %dma_start3A_327 = arith.constant 1 : i32
        %dma_start3A_328 = arith.constant 0 : i32
        %dma_start3A_329 = arith.constant 0 : i32
        %dma_start3A_330 = tpu.memref_slice %arg7[%dma_start3A_327, %dma_start3A_328, %dma_start3A_329] : memref<5x40x128xf32, #tpu.memory_space<vmem>> -> memref<1x40x128xf32, #tpu.memory_space<vmem>>
        %dma_start3A_331 = tpu.memref_squeeze %dma_start3A_330 : memref<1x40x128xf32, #tpu.memory_space<vmem>> -> memref<40x128xf32, #tpu.memory_space<vmem>>
        %dma_start3A_332 = tpu.memref_slice %arg6[%mul3A_326] : memref<20000xi32, #tpu.memory_space<vmem>> -> memref<40xi32, #tpu.memory_space<vmem>>
        %dma_start3A_333 = arith.constant 0 : i32
        %dma_start3A_334 = arith.constant 0 : i32
        %dma_start3A_335 = tpu.memref_slice %arg8[%dma_start3A_333, %dma_start3A_334] : memref<10000x128xf32, #tpu.memory_space<vmem_shared>> -> memref<10000x128xf32, #tpu.memory_space<vmem_shared>>
        tpu.enqueue_indirect_dma source(%dma_start3A_335 : memref<10000x128xf32, #tpu.memory_space<vmem_shared>>) target(%dma_start3A_331 : memref<40x128xf32, #tpu.memory_space<vmem>>) offsets(%dma_start3A_332 : memref<40xi32, #tpu.memory_space<vmem>>) semaphore(%arg10 : memref<!tpu.dma_semaphore, #tpu.memory_space<semaphore_mem>>)
      } else {
      }
      %mul3A_281 = arith.constant 5 : i32
      %mul3A_282 = arith.muli %mul3A_281, %scan3A_115 : i32
      %add3A_283 = arith.constant 4 : i32
      %add3A_284 = arith.addi %mul3A_282, %add3A_283 : i32
      %mul3A_285 = arith.constant 40 : i32
      %mul3A_286 = arith.muli %add3A_284, %mul3A_285 : i32
      %dma_wait3A_287 = arith.constant 4 : i32
      %dma_wait3A_288 = arith.constant 0 : i32
      %dma_wait3A_289 = arith.constant 0 : i32
      %dma_wait3A_290 = tpu.memref_slice %arg7[%dma_wait3A_287, %dma_wait3A_288, %dma_wait3A_289] : memref<5x40x128xf32, #tpu.memory_space<vmem>> -> memref<1x40x128xf32, #tpu.memory_space<vmem>>
      %dma_wait3A_291 = tpu.memref_squeeze %dma_wait3A_290 : memref<1x40x128xf32, #tpu.memory_space<vmem>> -> memref<40x128xf32, #tpu.memory_space<vmem>>
      %dma_wait3A_292 = tpu.memref_slice %arg6[%mul3A_286] : memref<20000xi32, #tpu.memory_space<vmem>> -> memref<40xi32, #tpu.memory_space<vmem>>
      %dma_wait3A_293 = arith.constant 0 : i32
      %dma_wait3A_294 = arith.constant 0 : i32
      %dma_wait3A_295 = tpu.memref_slice %arg8[%dma_wait3A_293, %dma_wait3A_294] : memref<10000x128xf32, #tpu.memory_space<vmem_shared>> -> memref<10000x128xf32, #tpu.memory_space<vmem_shared>>
      tpu.wait_indirect_dma semaphore(%arg13 : memref<!tpu.dma_semaphore, #tpu.memory_space<semaphore_mem>>) src(%dma_wait3A_295 : memref<10000x128xf32, #tpu.memory_space<vmem_shared>>) dst(%dma_wait3A_291 : memref<40x128xf32, #tpu.memory_space<vmem>>)
      %mul3A_296 = arith.constant 40 : i32
      %mul3A_297 = arith.muli %add3A_284, %mul3A_296 : i32
      %add3A_298 = arith.addi %mul3A_34, %mul3A_297 : i32
      %dma_start3A_299 = arith.constant 4 : i32
      %dma_start3A_300 = arith.constant 0 : i32
      %dma_start3A_301 = arith.constant 0 : i32
      %dma_start3A_302 = tpu.memref_slice %arg7[%dma_start3A_299, %dma_start3A_300, %dma_start3A_301] : memref<5x40x128xf32, #tpu.memory_space<vmem>> -> memref<1x40x128xf32, #tpu.memory_space<vmem>>
      %dma_start3A_303 = tpu.memref_squeeze %dma_start3A_302 : memref<1x40x128xf32, #tpu.memory_space<vmem>> -> memref<40x128xf32, #tpu.memory_space<vmem>>
      %dma_start3A_304 = tpu.memref_slice %arg5[%add3A_298, %mul3A_18] : memref<320000x256xf32, #tpu.memory_space<hbm>> -> memref<40x128xf32, #tpu.memory_space<hbm>>
      %dma_start3A_305 = tpu.memref_slice %arg5[%add3A_298, %mul3A_18] : memref<320000x256xf32, #tpu.memory_space<hbm>> -> memref<40x128xf32, #tpu.memory_space<hbm>>
      %dma_start3A_306 = arith.constant 0 : i32
      %dma_start3A_307 = arith.constant 0 : i32
      %dma_start3A_308 = tpu.memref_slice %arg7[%dma_start3A_299, %dma_start3A_306, %dma_start3A_307] : memref<5x40x128xf32, #tpu.memory_space<vmem>> -> memref<1x40x128xf32, #tpu.memory_space<vmem>>
      %dma_start3A_309 = tpu.memref_squeeze %dma_start3A_308 : memref<1x40x128xf32, #tpu.memory_space<vmem>> -> memref<40x128xf32, #tpu.memory_space<vmem>>
      tpu.enqueue_dma source(%dma_start3A_309 : memref<40x128xf32, #tpu.memory_space<vmem>>) target(%dma_start3A_305 : memref<40x128xf32, #tpu.memory_space<hbm>>) target_semaphore(%arg18 : memref<!tpu.dma_semaphore, #tpu.memory_space<semaphore_mem>>)
      %ge3A_310 = arith.constant 2 : i32
      %ge3A_311 = arith.cmpi sge, %add3A_284, %ge3A_310 : i32
      %convert_element_type3A_312 = arith.extui %ge3A_311 : i1 to i32
      %cond3A_313 = arith.constant 0 : i32
      %cond3A_314 = arith.cmpi ne, %convert_element_type3A_312, %cond3A_313 : i32
      scf.if %cond3A_314 {
        %dma_wait3A_323 = arith.constant 2 : i32
        %dma_wait3A_324 = arith.constant 0 : i32
        %dma_wait3A_325 = arith.constant 0 : i32
        %dma_wait3A_326 = tpu.memref_slice %arg7[%dma_wait3A_323, %dma_wait3A_324, %dma_wait3A_325] : memref<5x40x128xf32, #tpu.memory_space<vmem>> -> memref<1x40x128xf32, #tpu.memory_space<vmem>>
        %dma_wait3A_327 = tpu.memref_squeeze %dma_wait3A_326 : memref<1x40x128xf32, #tpu.memory_space<vmem>> -> memref<40x128xf32, #tpu.memory_space<vmem>>
        %dma_wait3A_328 = arith.constant 0 : i32
        %dma_wait3A_329 = arith.constant 0 : i32
        %dma_wait3A_330 = tpu.memref_slice %arg5[%dma_wait3A_328, %dma_wait3A_329] : memref<320000x256xf32, #tpu.memory_space<hbm>> -> memref<40x128xf32, #tpu.memory_space<hbm>>
        %dma_wait3A_331 = arith.constant 0 : i32
        %dma_wait3A_332 = arith.constant 0 : i32
        %dma_wait3A_333 = tpu.memref_slice %arg5[%dma_wait3A_331, %dma_wait3A_332] : memref<320000x256xf32, #tpu.memory_space<hbm>> -> memref<40x128xf32, #tpu.memory_space<hbm>>
        %dma_wait3A_334 = arith.constant 0 : i32
        %dma_wait3A_335 = arith.constant 0 : i32
        %dma_wait3A_336 = tpu.memref_slice %arg7[%dma_wait3A_323, %dma_wait3A_334, %dma_wait3A_335] : memref<5x40x128xf32, #tpu.memory_space<vmem>> -> memref<1x40x128xf32, #tpu.memory_space<vmem>>
        %dma_wait3A_337 = tpu.memref_squeeze %dma_wait3A_336 : memref<1x40x128xf32, #tpu.memory_space<vmem>> -> memref<40x128xf32, #tpu.memory_space<vmem>>
        tpu.wait_dma2 semaphore(%arg16 : memref<!tpu.dma_semaphore, #tpu.memory_space<semaphore_mem>>) src(%dma_wait3A_337 : memref<40x128xf32, #tpu.memory_space<vmem>>) dst(%dma_wait3A_333 : memref<40x128xf32, #tpu.memory_space<hbm>>)
      } else {
      }
      %add3A_315 = arith.constant 3 : i32
      %add3A_316 = arith.addi %add3A_284, %add3A_315 : i32
      %lt3A_317 = arith.constant 500 : i32
      %lt3A_318 = arith.cmpi slt, %add3A_316, %lt3A_317 : i32
      %convert_element_type3A_319 = arith.extui %lt3A_318 : i1 to i32
      %cond3A_320 = arith.constant 0 : i32
      %cond3A_321 = arith.cmpi ne, %convert_element_type3A_319, %cond3A_320 : i32
      scf.if %cond3A_321 {
        %add3A_323 = arith.constant 3 : i32
        %add3A_324 = arith.addi %add3A_284, %add3A_323 : i32
        %mul3A_325 = arith.constant 40 : i32
        %mul3A_326 = arith.muli %add3A_324, %mul3A_325 : i32
        %dma_start3A_327 = arith.constant 2 : i32
        %dma_start3A_328 = arith.constant 0 : i32
        %dma_start3A_329 = arith.constant 0 : i32
        %dma_start3A_330 = tpu.memref_slice %arg7[%dma_start3A_327, %dma_start3A_328, %dma_start3A_329] : memref<5x40x128xf32, #tpu.memory_space<vmem>> -> memref<1x40x128xf32, #tpu.memory_space<vmem>>
        %dma_start3A_331 = tpu.memref_squeeze %dma_start3A_330 : memref<1x40x128xf32, #tpu.memory_space<vmem>> -> memref<40x128xf32, #tpu.memory_space<vmem>>
        %dma_start3A_332 = tpu.memref_slice %arg6[%mul3A_326] : memref<20000xi32, #tpu.memory_space<vmem>> -> memref<40xi32, #tpu.memory_space<vmem>>
        %dma_start3A_333 = arith.constant 0 : i32
        %dma_start3A_334 = arith.constant 0 : i32
        %dma_start3A_335 = tpu.memref_slice %arg8[%dma_start3A_333, %dma_start3A_334] : memref<10000x128xf32, #tpu.memory_space<vmem_shared>> -> memref<10000x128xf32, #tpu.memory_space<vmem_shared>>
        tpu.enqueue_indirect_dma source(%dma_start3A_335 : memref<10000x128xf32, #tpu.memory_space<vmem_shared>>) target(%dma_start3A_331 : memref<40x128xf32, #tpu.memory_space<vmem>>) offsets(%dma_start3A_332 : memref<40xi32, #tpu.memory_space<vmem>>) semaphore(%arg11 : memref<!tpu.dma_semaphore, #tpu.memory_space<semaphore_mem>>)
      } else {
      }
      %scan3A_322 = arith.constant 0 : i32
      scf.yield %scan3A_322 : i32
    }
    %scan3A_85 = arith.constant 100 : i32
    %dma_wait3A = arith.constant 3 : i32
    %dma_wait3A_86 = arith.constant 0 : i32
    %dma_wait3A_87 = arith.constant 0 : i32
    %dma_wait3A_88 = tpu.memref_slice %arg7[%dma_wait3A, %dma_wait3A_86, %dma_wait3A_87] : memref<5x40x128xf32, #tpu.memory_space<vmem>> -> memref<1x40x128xf32, #tpu.memory_space<vmem>>
    %dma_wait3A_89 = tpu.memref_squeeze %dma_wait3A_88 : memref<1x40x128xf32, #tpu.memory_space<vmem>> -> memref<40x128xf32, #tpu.memory_space<vmem>>
    %dma_wait3A_90 = arith.constant 0 : i32
    %dma_wait3A_91 = arith.constant 0 : i32
    %dma_wait3A_92 = tpu.memref_slice %arg5[%dma_wait3A_90, %dma_wait3A_91] : memref<320000x256xf32, #tpu.memory_space<hbm>> -> memref<40x128xf32, #tpu.memory_space<hbm>>
    %dma_wait3A_93 = arith.constant 0 : i32
    %dma_wait3A_94 = arith.constant 0 : i32
    %dma_wait3A_95 = tpu.memref_slice %arg5[%dma_wait3A_93, %dma_wait3A_94] : memref<320000x256xf32, #tpu.memory_space<hbm>> -> memref<40x128xf32, #tpu.memory_space<hbm>>
    %dma_wait3A_96 = arith.constant 0 : i32
    %dma_wait3A_97 = arith.constant 0 : i32
    %dma_wait3A_98 = tpu.memref_slice %arg7[%dma_wait3A, %dma_wait3A_96, %dma_wait3A_97] : memref<5x40x128xf32, #tpu.memory_space<vmem>> -> memref<1x40x128xf32, #tpu.memory_space<vmem>>
    %dma_wait3A_99 = tpu.memref_squeeze %dma_wait3A_98 : memref<1x40x128xf32, #tpu.memory_space<vmem>> -> memref<40x128xf32, #tpu.memory_space<vmem>>
    tpu.wait_dma2 semaphore(%arg17 : memref<!tpu.dma_semaphore, #tpu.memory_space<semaphore_mem>>) src(%dma_wait3A_99 : memref<40x128xf32, #tpu.memory_space<vmem>>) dst(%dma_wait3A_95 : memref<40x128xf32, #tpu.memory_space<hbm>>)
    %dma_wait3A_100 = arith.constant 4 : i32
    %dma_wait3A_101 = arith.constant 0 : i32
    %dma_wait3A_102 = arith.constant 0 : i32
    %dma_wait3A_103 = tpu.memref_slice %arg7[%dma_wait3A_100, %dma_wait3A_101, %dma_wait3A_102] : memref<5x40x128xf32, #tpu.memory_space<vmem>> -> memref<1x40x128xf32, #tpu.memory_space<vmem>>
    %dma_wait3A_104 = tpu.memref_squeeze %dma_wait3A_103 : memref<1x40x128xf32, #tpu.memory_space<vmem>> -> memref<40x128xf32, #tpu.memory_space<vmem>>
    %dma_wait3A_105 = arith.constant 0 : i32
    %dma_wait3A_106 = arith.constant 0 : i32
    %dma_wait3A_107 = tpu.memref_slice %arg5[%dma_wait3A_105, %dma_wait3A_106] : memref<320000x256xf32, #tpu.memory_space<hbm>> -> memref<40x128xf32, #tpu.memory_space<hbm>>
    %dma_wait3A_108 = arith.constant 0 : i32
    %dma_wait3A_109 = arith.constant 0 : i32
    %dma_wait3A_110 = tpu.memref_slice %arg5[%dma_wait3A_108, %dma_wait3A_109] : memref<320000x256xf32, #tpu.memory_space<hbm>> -> memref<40x128xf32, #tpu.memory_space<hbm>>
    %dma_wait3A_111 = arith.constant 0 : i32
    %dma_wait3A_112 = arith.constant 0 : i32
    %dma_wait3A_113 = tpu.memref_slice %arg7[%dma_wait3A_100, %dma_wait3A_111, %dma_wait3A_112] : memref<5x40x128xf32, #tpu.memory_space<vmem>> -> memref<1x40x128xf32, #tpu.memory_space<vmem>>
    %dma_wait3A_114 = tpu.memref_squeeze %dma_wait3A_113 : memref<1x40x128xf32, #tpu.memory_space<vmem>> -> memref<40x128xf32, #tpu.memory_space<vmem>>
    tpu.wait_dma2 semaphore(%arg18 : memref<!tpu.dma_semaphore, #tpu.memory_space<semaphore_mem>>) src(%dma_wait3A_114 : memref<40x128xf32, #tpu.memory_space<vmem>>) dst(%dma_wait3A_110 : memref<40x128xf32, #tpu.memory_space<hbm>>)
    return
  }
}

</mosaic_0001>

<sc_bundles>
// kernel: kernel.3.cloned.1.call-start
scs
__scs_entry_jumppad:
0x0: {  	(pc) =	sbr.rel $0x88, $3  }
0x1: {  	(tag) =	ssettag $0x0;
	lr =	simm.s32 $0x1  }
0x2: {  	[smem:$0x3F9E] =	sst lr;
	_ =	strace $0xD0000000  }
0x3: {  	_ = 	snop  }
0x4: {  	_ = 	snop  }
0x5: {  	_ = 	snop  }
0x6: {  	_ = 	snop  }
0x7: {  	_ = 	snop  }
__scs_overlays_trampoline_lowered:
0x8: {  	[smem:$0x3FAD] =	sst s0  }
0x9: {  	[smem:$0x3FAE] =	sst s1  }
0xa: {  	[smem:$0x3FAF] =	sst s2  }
0xb: {  	[smem:$0x3FB0] =	sst s3  }
0xc: {  	[smem:$0x3FB1] =	sst s4  }
0xd: {  	[smem:$0x3FB2] =	sst s5  }
0xe: {  	[smem:$0x3FB3] =	sst s6  }
0xf: {  	[smem:$0x3FB4] =	sst s7  }
0x10: {  	[smem:$0x3FB5] =	sst s8  }
0x11: {  	[smem:$0x3FB6] =	sst s9;
	s0 =	simm.s32 @!p0 $0x0  }
0x12: {  	s1 =	sld [smem:$0x3F9C];
	s0 =	simm.s32 @p0 $0x1  }
0x13: {  	[smem:$0x3FB7] =	sst s0;
	s0 =	simm.s32 @!p1 $0x0  }
0x14: {  	s2 =	sld [smem:$0x3F9B];
	s0 =	simm.s32 @p1 $0x1  }
0x15: {  	[smem:$0x3FB8] =	sst s0;
	s0 =	simm.s32 @!p2 $0x0  }
0x16: {  	s3 =	sld [smem:$0x3FDB];
	s0 =	simm.s32 @p2 $0x1  }
0x17: {  	s4 =	simm.s32 $0x1BF5;
	[smem:$0x3FBA] =	sst s0  }
0x18: {  	s0 =	sld [smem:$0x3F9D];
	_ =	swait.ge [sflag:s4], $0x0  }
0x19: {  	s7 =	sld [smem:$0x3F9E]  }
0x1a: {  	s8 =	sadd.s32 $0xFFFFE003, lr  }
0x1b: {  	s9 =	sadd.s32 $0xFFFFFEF7, lr;
	s5 =	simm.s32 $0xFFFFFFFF;
	p2 =	slt.u32 s8, $0xFFFFF086  }
0x1c: {  	p1 =	slt.u32 s9, $0xF7A;
	s5 =	simm.s32 @!p2 $0x0  }
0x1d: {  	s5 =	simm.s32 @p1 $0x1;
	p0 =	seq.s32 s7, s2  }
0x1e: {  	s7 =	smul.u32 @!p0 $0xF7A, s2;
	p2 =	seq.s32 @!p0 s5, $0x0  }
0x1f: {  	s9 =	smul.u32 $0xF7A, s1;
	s8 =	simm.s32 @!p0 $0x1BF5;
	p2 =	por !p2, p0  }
0x20: {  	[sflag:s8] =	ssyncset.s32 @!p0 $0xFFFFF086;
	s6 =	sadd.s32 @!p0 s3, s7;
	s7 =	simm.s32 @!p0 $0x108  }
0x21: {  	s3 =	sadd.s32 s3, s9;
	s6 =	sadd.s32 @!p0 $0x88, s6;
	s7 =	simm.s32 @p2 $0x1082  }
0x22: {  	[simem:s7], [sflag:s8] =	dma.local @!p0 [hbm:s6], $0xF7A  }
0x23: {  	s9 =	sor.u32 $0xD0000000, s2;
	s6 =	simm.s32 $0x108;
	_ =	swait.ge @!p0 [sflag:s8], $0x0  }
0x24: {  	s3 =	sadd.s32 $0x88, s3;
	s6 =	simm.s32 @!p1 $0x1082;
	[sflag:s4] =	ssyncset.s32 $0xFFFFF086  }
0x25: {  	[simem:s6], [sflag:s4] =	dma.local [hbm:s3], $0xF7A  }
0x26: {  	[smem:$0x3F9E] =	sst s1;
	(tag) =	ssettag s2;
	_ =	strace s9  }
0x27: {  	s1 =	sld [smem:$0x3FAE]  }
0x28: {  	s2 =	sld [smem:$0x3FAF]  }
0x29: {  	s4 =	sld [smem:$0x3FB1]  }
0x2a: {  	p0 =	seq.s32 s5, $0x0;
	s5 =	sld [smem:$0x3FB2]  }
0x2b: {  	s6 =	sld [smem:$0x3FB3]  }
0x2c: {  	s7 =	sld [smem:$0x3FB4]  }
0x2d: {  	s3 =	simm.s32 $0x108;
	s8 =	sld [smem:$0x3FB5]  }
0x2e: {  	s3 =	simm.s32 @!p0 $0x1082;
	s9 =	sld [smem:$0x3FB6]  }
0x2f: {  	lr =	sadd.s32 s0, s3;
	s0 =	sld [smem:$0x3FAD]  }
0x30: {  	s3 =	sld [smem:$0x3FB0]  }
0x31: {  	[smem:$0x3FB9] =	sst s10  }
0x32: {  	s10 =	sld [smem:$0x3FB7];
	_ =	sdelay $0x3  }
0x33: {  	p0 =	seq.s32 s10, $0x1;
	s10 =	sld [smem:$0x3FB9];
	_ =	sdelay $0x3  }
0x34: {  	[smem:$0x3FB9] =	sst s10  }
0x35: {  	s10 =	sld [smem:$0x3FB8];
	_ =	sdelay $0x3  }
0x36: {  	p1 =	seq.s32 s10, $0x1;
	s10 =	sld [smem:$0x3FB9];
	_ =	sdelay $0x3  }
0x37: {  	[smem:$0x3FB9] =	sst s10  }
0x38: {  	s10 =	sld [smem:$0x3FBA]  }
0x39: {  	_ = 	snop;
	(pc) =	sbr.ind lr, $3  }
0x3a: {  	_ = 	snop  }
0x3b: {  	_ = 	snop  }
0x3c: {  	p2 =	seq.s32 s10, $0x1;
	s10 =	sld [smem:$0x3FB9]  }
0x3d: {  	_ =	shalt  }
0x3e: {  	_ =	shalt  }
0x3f: {  	_ =	shalt  }
0x40: {  	_ =	shalt  }
0x41: {  	_ =	shalt  }
0x42: {  	_ =	shalt  }
0x43: {  	_ =	shalt  }
0x44: {  	_ =	shalt  }
0x45: {  	_ =	shalt  }
0x46: {  	_ =	shalt  }
0x47: {  	_ =	shalt  }
0x48: {  	_ =	shalt  }
0x49: {  	_ =	shalt  }
0x4a: {  	_ =	shalt  }
0x4b: {  	_ =	shalt  }
0x4c: {  	_ =	shalt  }
0x4d: {  	_ =	shalt  }
0x4e: {  	_ =	shalt  }
0x4f: {  	_ =	shalt  }
0x50: {  	_ =	shalt  }
0x51: {  	_ =	shalt  }
0x52: {  	_ =	shalt  }
0x53: {  	_ =	shalt  }
0x54: {  	_ =	shalt  }
0x55: {  	_ =	shalt  }
0x56: {  	_ =	shalt  }
0x57: {  	_ =	shalt  }
0x58: {  	_ =	shalt  }
0x59: {  	_ =	shalt  }
0x5a: {  	_ =	shalt  }
0x5b: {  	_ =	shalt  }
0x5c: {  	_ =	shalt  }
0x5d: {  	_ =	shalt  }
0x5e: {  	_ =	shalt  }
0x5f: {  	_ =	shalt  }
0x60: {  	_ =	shalt  }
0x61: {  	_ =	shalt  }
0x62: {  	_ =	shalt  }
0x63: {  	_ =	shalt  }
0x64: {  	_ =	shalt  }
0x65: {  	_ =	shalt  }
0x66: {  	_ =	shalt  }
0x67: {  	_ =	shalt  }
0x68: {  	_ =	shalt  }
0x69: {  	_ =	shalt  }
0x6a: {  	_ =	shalt  }
0x6b: {  	_ =	shalt  }
0x6c: {  	_ =	shalt  }
0x6d: {  	_ =	shalt  }
0x6e: {  	_ =	shalt  }
0x6f: {  	_ =	shalt  }
0x70: {  	_ =	shalt  }
0x71: {  	_ =	shalt  }
0x72: {  	_ =	shalt  }
0x73: {  	_ =	shalt  }
0x74: {  	_ =	shalt  }
0x75: {  	_ =	shalt  }
0x76: {  	_ =	shalt  }
0x77: {  	_ =	shalt  }
0x78: {  	_ =	shalt  }
0x79: {  	_ =	shalt  }
0x7a: {  	_ =	shalt  }
0x7b: {  	_ =	shalt  }
0x7c: {  	_ =	shalt  }
0x7d: {  	_ =	shalt  }
0x7e: {  	_ =	shalt  }
0x7f: {  	_ =	shalt  }
0x80: {  	_ =	shalt  }
0x81: {  	_ =	shalt  }
0x82: {  	_ =	shalt  }
0x83: {  	_ =	shalt  }
0x84: {  	_ =	shalt  }
0x85: {  	_ =	shalt  }
0x86: {  	_ =	shalt  }
0x87: {  	_ =	shalt  }
.Lfunc_end0:
.L_simem_size_0:
called_computation_lowered:
.L_overlay_start_0:
0x88: {  	s2 =	sld [smem:$0x3FD9]  }
0x89: {  	s3 =	sld [smem:$0x3FFE];
	_ =	sdelay $0x1  }
0x8a: {  	s1 =	srdreg.scid  }
0x8b: {  	s0 =	sand.u32 $0x1, s1  }
0x8c: {  	s18 =	sshll.u32 s0, $0xA;
	s2 =	sadd.s32 s3, s2  }
0x8d: {  	s2 =	sadd.s32 s2, s18  }
0x8e: {  	[smem:$0x3FC5] =	sst s2  }
0x8f: {  	_ = 	snop  }
0x90: {  	s2 =	sld [smem:$0x3FC9]  }
0x91: {  	s19 =	sld [smem:$0x3FC8]  }
0x92: {  	s4 =	sld [smem:$0x3FC7]  }
0x93: {  	s5 =	sld [smem:$0x3FD0];
	(tm) =	ssettm $0x1  }
0x94: {  	s6 =	sld [smem:$0x3FFB];
	_ =	sdelay $0x3  }
0x95: {  	_ =	strace s6  }
0x96: {  	s6 =	sld [smem:$0x3FFC];
	_ =	sdelay $0x3  }
0x97: {  	_ =	strace s6  }
0x98: {  	s6 =	sld [smem:$0x3FFD];
	_ =	sdelay $0x3  }
0x99: {  	_ =	strace s6  }
0x9a: {  	_ =	strace $0x8FFFFFFF  }
0x9b: {  	s20 =	sld [smem:$0x3FDB];
	_ =	sdelay $0x1  }
0x9c: {  	s7 =	simm.s32 $_scs_section_size  }
0x9d: {  	s8 =	simm.s32 $_size__tile_overlayer_lowered;
	s9 =	simm.s32 $_tile_overlayer_lowered  }
0x9e: {  	s23 =	simm.s32 $0x1BFF;
	s22 =	sshll.u32 s9, $0x1;
	s6 =	sadd.s32 s7, s20  }
0x9f: {  	s10 =	simm.s32 $0x0;
	s21 =	sshll.u32 s8, $0x1;
	s8 =	sadd.s32 s22, s6  }
0xa0: {  	[timem:s10], [sflag:s23] =	dma.local [hbm:s8], s21  }
0xa1: {  	_ =	swait.ge [sflag:s23], s21  }
0xa2: {  	s7 =	ssub.s32 $0x0, s21;
	[sflag:s23] =	ssyncset.done $0x0  }
0xa3: {  	[sflag:s23] =	ssyncadd.s32 s7;
	_ =	sdelay $0x1  }
0xa4: {  	s24 =	simm.s32 $0x1B8B  }
0xa5: {  	_ =	swait.ge [sflag:s24], $0x1  }
0xa6: {  	[sflag:s24] =	ssyncset.done $0x0  }
0xa7: {  	s25 =	simm.s32 $0x1B8E;
	[sflag:s24] =	ssyncadd.s32 $0xFFFFFFFF  }
0xa8: {  	s26 =	simm.s32 $execute0_lowered;
	[smem:$0x3FD2] =	sst s25  }
0xa9: {  	s7 =	sshll.u32 s26, $0x1;
	_ =	strace $0x80000046;
	[dreg:$0x1] =	wrdreg $0xFFFFFFFF  }
0xaa: {  	s28 =	simm.s32 $_size_execute0_lowered;
	s6 =	sadd.s32 s6, s7;
	[dreg:$0x0] =	wrdreg $0x0  }
0xab: {  	s7 =	sshll.u32 s28, $0x1;
	[dreg:$0x2] =	wrdreg s6  }
0xac: {  	[dreg:$0x3] =	wrdreg s7  }
0xad: {  	[dreg:$0x4] =	wrdreg $0xC0  }
0xae: {  	_ =	task [dreg:s10], $0x5FFFF  }
0xaf: {  	[dreg:$0x1] =	wrdreg $0xFFFFFFFF  }
0xb0: {  	[dreg:$0x0] =	wrdreg $0x60  }
0xb1: {  	[dreg:$0x2] =	wrdreg s2  }
0xb2: {  	[dreg:$0x3] =	wrdreg s19  }
0xb3: {  	[dreg:$0x4] =	wrdreg s4  }
0xb4: {  	[dreg:$0x5] =	wrdreg s5  }
0xb5: {  	[dreg:$0x6] =	wrdreg $0xB2800  }
0xb6: {  	[dreg:$0x7] =	wrdreg $0x9  }
0xb7: {  	_ =	task.clear_ibuf [dreg:s10], $0x8FFFF;
	_ =	strace $0x90000046  }
0xb8: {  	s29 =	simm.s32 $0x9;
	_ =	strace $0x80000048  }
0xb9: {  	_ =	swait.ge [sflag:s29], $0x1  }
0xba: {  	[sflag:s29] =	ssyncadd.s32 $0xFFFFFFFF  }
0xbb: {  	_ =	strace $0x90000048  }
0xbc: {  	_ =	sfence  }
0xbd: {  	s30 =	sld [smem:$0x0];
	_ =	sdelay $0x2  }
0xbe: {  	s31 =	sshll.u32 s1, $0xD;
	s1 =	sshrl.u32 s1, $0x2  }
0xbf: {  	s3 =	sand.u32 $0x4000, s31;
	s1 =	sadd.s32 s1, s30  }
0xc0: {  	s0 =	sor.u32 s3, s0;
	s1 =	sshll.u32 s1, $0x11  }
0xc1: {  	s0 =	sor.u32 s1, s0  }
0xc2: {  	s0 =	sadd.s32 $0x8F2B, s0  }
0xc3: {  	[sflag:s0] =	ssyncadd.remote.s32 $0x1  }
0xc4: {  	_ =	sfence.sel $0xFFFF  }
0xc5: {  	[dreg:$0x0] =	wrdreg $0xFFFFFFFF;
	(pc) =	sbr.abs _section_cstart, $3  }
0xc6: {  	[dreg:$0x1] =	wrdreg $0xFFFFFFFF  }
0xc7: {  	_ =	task.clear_ibuf [dreg:s10], $0x2FFFF;
	_ =	strace $0x9FFFFFFF  }
0xc8: {  	(tm) =	ssettm $0x7FFFFFFF  }
0xc9: {  	_ =	shalt  }
tec
execute0_lowered:
.L_overlay_start_1:
0x0: {  	(tag) =	ssettag $0x1  }
0x1: {  	s0 =	rddreg [dreg:$0x0]  }
0x2: {  	s2 =	rddreg [dreg:$0x1]  }
0x3: {  	s3 =	rddreg [dreg:$0x2]  }
0x4: {  	s5 =	rddreg [dreg:$0x3]  }
0x5: {  	s1 =	rddreg [dreg:$0x4];
	s4 =	srdreg.scid  }
0x6: {  	s6 =	stileid.u32;
	s8 =	simm.s32 $0x0;
	s28 =	simm.s32 $0x3  }
0x7: {  	s29 =	simm.s32 $0x6;
	s30 =	simm.s32 $0x4;
	s31 =	simm.s32 $0x7  }
0x8: {  	s7 =	sand.u32 $0x1, s4;
	s13 =	sshll.u32 s6, $0x1;
	s10 =	smul.u32 $0x4E000, s6  }
0x9: {  	[smem:$0x7FF] =	sst s8;
	s17 =	smul.u32 $0x2700, s6;
	s11 =	sand.u32 $0x7, s6  }
0xa: {  	s18 =	sshll.u32 s6, $0x6;
	p0 =	slt.u32 s6, $0x8;
	s19 =	sshll.u32 s6, $0x7  }
0xb: {  	s14 =	ssub.s32 $0x2, s7;
	s4 =	sand.u32 $0xE, s13;
	_ =	strace $0x80000047  }
0xc: {  	s11 =	smul.u32 $0x9C4000, s11;
	s9 =	sshrl.u32 s14, $0x1;
	s4 =	sor.u32 s7, s4  }
0xd: {  	s16 =	sshrl.u32 s10, $0x2;
	s10 =	sadd.s32 s0, s17;
	s7 =	smul.u32 $0x4E2000, s7  }
0xe: {  	s0 =	sadd.s32 $0x27000, s0;
	s17 =	simm.s32 $0x4E80;
	s8 =	ssub.s32 s14, s9  }
0xf: {  	s15 =	smul.u32 $0x4E20, s4;
	s12 =	sadd.s32 s16, s1;
	[dreg:$0x6] =	wrdreg s10  }
0x10: {  	s4 =	sor.u32 $0x1C0B, s18;
	s10 =	sand.u32 $0x400, s19;
	[dreg:$0x8] =	wrdreg s0  }
0x11: {  	s14 =	simm.s32 $0xB;
	s16 =	simm.s32 $0x28;
	s18 =	simm.s32 $0x6280  }
0x12: {  	s19 =	simm.s32 $0x8;
	[dreg:$0x7] =	wrdreg s4;
	s7 =	sadd.s32 s7, s11  }
0x13: {  	s11 =	sadd.s32 $0x138000, s1;
	s8 =	smax.u32 s8, $0x1;
	s26 =	sshrl.u32 s12, $0x3  }
0x14: {  	s9 =	sshrl.u32 s15, $0x3;
	s20 =	sor.u32 s10, s7;
	[dreg:$0xa] =	wrdreg s8  }
0x15: {  	[dreg:$0x10] =	wrdreg s26;
	s26 =	simm.s32 $0x9E80;
	s3 =	sadd.s32 s3, s9  }
0x16: {  	s4 =	sadd.s32 s2, s9;
	s21 =	sadd.s32 $0x5000, s20;
	s7 =	sadd.s32 $0x2800, s20  }
0x17: {  	s23 =	sshrl.u32 s20, $0x3;
	s24 =	sadd.s32 $0xA000, s20;
	s0 =	sadd.s32 $0x7800, s20  }
0x18: {  	s20 =	simm.s32 $0x7680;
	s2 =	sshrl.u32 s21, $0x3;
	s7 =	sshrl.u32 s7, $0x3  }
0x19: {  	s3 =	smov.u32 @p0 s4;
	s25 =	sshrl.u32 s24, $0x3;
	s0 =	sshrl.u32 s0, $0x3  }
0x1a: {  	p0 =	sne.s32 s6, $0x0;
	s21 =	simm.s32 $0x1;
	s2 =	sadd.s32 s2, s5  }
0x1b: {  	s24 =	simm.s32 $0x8A80;
	s22 =	sadd.s32 s7, s5;
	[dreg:$0xb] =	wrdreg s2  }
0x1c: {  	s0 =	sadd.s32 s0, s5;
	s4 =	smov.u32 @p0 s3;
	[dreg:$0xc] =	wrdreg s22  }
.Ltmp0:
0x1d: {  	s3 =	simm.s32 $0xA;
	[dreg:$0xf] =	wrdreg s0;
	(pc) =	sbr.rel .LBB2_1-.Ltmp0, $4  }
0x1e: {  	s2 =	sadd.s32 s23, s5;
	s0 =	sshrl.u32 @!p0 s11, $0x3;
	[dreg:$0x9] =	wrdreg s4  }
0x1f: {  	s22 =	simm.s32 $0x400;
	s23 =	simm.s32 $0x800;
	[dreg:$0xd] =	wrdreg s2  }
0x20: {  	s2 =	sadd.s32 s25, s5;
	[dreg:$0x11] =	wrdreg s0;
	s25 =	simm.s32 $0x2  }
0x21: {  	s0 =	simm.s32 $0x5;
	s5 =	simm.s32 $0x0;
	[dreg:$0xe] =	wrdreg s2  }
.LBB2_4:
0x22: {  	s2 =	simm.s32 $0x9  }
0x23: {  	_ =	swait.ge [sflag:s2], $0x1400  }
0x24: {  	[sflag:s2] =	ssyncset.done $0x0  }
0x25: {  	[sflag:s2] =	ssyncadd.s32 $0xFFFFEC00  }
0x26: {  	_ =	swait.ge [sflag:s3], $0x1400  }
0x27: {  	s5 =	sadd.s32 $0x1, s5;
	s15 =	rddreg [dreg:$0xa]  }
0x28: {  	p1 =	sne.s32 s5, s15  }
.Ltmp1:
0x29: {  	_ = 	snop;
	(pc) =	sbr.rel @!p1 .LBB2_5-.Ltmp1, $3  }
0x2a: {  	_ =	sdelay $0x1  }
0x2b: {  	[sflag:s3] =	ssyncset.done $0x0  }
0x2c: {  	[sflag:s3] =	ssyncadd.s32 $0xFFFFEC00  }
.LBB2_1:
0x2d: {  	s2 =	rddreg [dreg:$0x6]  }
0x2e: {  	s4 =	rddreg [dreg:$0x7]  }
0x2f: {  	s6 =	rddreg [dreg:$0x10]  }
0x30: {  	[spmem:s6], [sflag:s4] =	dma.local [hbm:s2], $0x2700  }
0x31: {  	_ =	swait.ge [sflag:s14], $0x2700  }
0x32: {  	[sflag:s14] =	ssyncset.done $0x0;
	s2 =	rddreg [dreg:$0x8]  }
0x33: {  	s6 =	rddreg [dreg:$0x11];
	[sflag:s14] =	ssyncadd.s32 $0xFFFFD900  }
0x34: {  	[spmem:s6], [sflag:s4] =	dma.local @!p0 [hbm:s2], $0x100  }
0x35: {  	s6 =	simm.s32 @!p0 $0xB  }
0x36: {  	_ =	swait.ge @!p0 [sflag:s6], $0x100  }
0x37: {  	[sflag:s6] =	ssyncset.done @!p0 $0x0  }
0x38: {  	s12 =	simm.s32 $0x0;
	s13 =	rddreg [dreg:$0x9];
	[sflag:s6] =	ssyncadd.s32 @!p0 $0xFFFFFF00  }
0x39: {  	[tilespmem:s12], [sflag:$0xB] =	stream.linear.gather [hbm4b:s13+s12], $0x4E20, $0x38;
	[tilespmem:$0x1EB00] =	vst v63  }
0x3a: {  	_ =	swait.ge [sflag:s14], $0x4E20  }
0x3b: {  	[sflag:s14] =	ssyncset.done $0x0  }
0x3c: {  	[sflag:s14] =	ssyncadd.s32 $0xFFFFB1E0  }
0x3d: {  	[bflag:$0x0] =	sbarrier.arrive $0xFFFF  }
0x3e: {  	[tilespmem:s17], [sflag:$0x1] =	stream.indirect.gather [spmem:s1], $0x80, s12, s16, $0xb8;
	[tilespmem:$0x1EB00] =	vst v63  }
0x3f: {  	s12 =	rddreg [dreg:$0xf]  }
0x40: {  	s11 =	rddreg [dreg:$0xe]  }
0x41: {  	s10 =	rddreg [dreg:$0xd]  }
0x42: {  	s9 =	rddreg [dreg:$0xc]  }
0x43: {  	[tilespmem:s18], [sflag:$0x2] =	stream.indirect.gather [spmem:s1], $0x80, s16, s16, $0xb8;
	[tilespmem:$0x1EB00] =	vst v63  }
0x44: {  	s15 =	simm.s32 $0x50;
	s8 =	simm.s32 $0x0;
	s6 =	rddreg [dreg:$0xb]  }
0x45: {  	[tilespmem:s20], [sflag:$0x3] =	stream.indirect.gather [spmem:s1], $0x80, s15, s16, $0xb8;
	[tilespmem:$0x1EB00] =	vst v63  }
.LBB2_2:
0x46: {  	_ =	swait.ge [sflag:s21], $0x1400  }
0x47: {  	p1 =	seq.s32 s8, $0x0;
	[sflag:s21] =	ssyncset.done $0x0  }
0x48: {  	s13 =	simm.s32 @!p1 $0x9;
	[sflag:s21] =	ssyncadd.s32 $0xFFFFEC00  }
0x49: {  	[hbm4b:s10+s22] =	stream.strided.scatter [tilespmem:s17], [sflag:$0x6], $0x1400, s23, s22, $0x38;
	[tilespmem:$0x1EB00] =	vst v63  }
0x4a: {  	_ =	swait.ge @!p1 [sflag:s13], $0x1400  }
0x4b: {  	s7 =	sshra.s32 s8, $0x2;
	[sflag:s13] =	ssyncset.done @!p1 $0x0  }
0x4c: {  	s4 =	sadd.s32 $0x78, s7;
	[sflag:s13] =	ssyncadd.s32 @!p1 $0xFFFFEC00  }
0x4d: {  	[tilespmem:s24], [sflag:$0x4] =	stream.indirect.gather [spmem:s1], $0x80, s4, s16, $0xb8;
	[tilespmem:$0x1EB00] =	vst v63  }
0x4e: {  	_ =	swait.ge [sflag:s25], $0x1400  }
0x4f: {  	[sflag:s25] =	ssyncset.done $0x0  }
0x50: {  	s13 =	simm.s32 @!p1 $0xA;
	[sflag:s25] =	ssyncadd.s32 $0xFFFFEC00  }
0x51: {  	[hbm4b:s9+s22] =	stream.strided.scatter [tilespmem:s18], [sflag:$0x7], $0x1400, s23, s22, $0x38;
	[tilespmem:$0x1EB00] =	vst v63  }
0x52: {  	_ =	swait.ge @!p1 [sflag:s13], $0x1400  }
0x53: {  	[sflag:s13] =	ssyncset.done @!p1 $0x0  }
0x54: {  	s15 =	sadd.s32 $0xA0, s7;
	[sflag:s13] =	ssyncadd.s32 @!p1 $0xFFFFEC00  }
0x55: {  	[tilespmem:s26], [sflag:$0x5] =	stream.indirect.gather [spmem:s1], $0x80, s15, s16, $0xb8;
	[tilespmem:$0x1EB00] =	vst v63  }
0x56: {  	_ =	swait.ge [sflag:s28], $0x1400  }
0x57: {  	[sflag:s28] =	ssyncset.done $0x0  }
0x58: {  	[sflag:s28] =	ssyncadd.s32 $0xFFFFEC00  }
0x59: {  	[hbm4b:s6+s22] =	stream.strided.scatter [tilespmem:s20], [sflag:$0x8], $0x1400, s23, s22, $0x38;
	[tilespmem:$0x1EB00] =	vst v63  }
0x5a: {  	p1 =	seq.s32 s8, $0x13560;
	_ =	swait.ge [sflag:s29], $0x1400  }
0x5b: {  	s13 =	sshra.s32 @!p1 s8, $0x2;
	s4 =	simm.s32 @!p1 $0x28;
	[sflag:s29] =	ssyncset.done $0x0  }
0x5c: {  	s2 =	simm.s32 @!p1 $0x4E80;
	s15 =	sadd.s32 @!p1 $0xC8, s13;
	[sflag:s29] =	ssyncadd.s32 $0xFFFFEC00  }
0x5d: {  	[tilespmem:s2], [sflag:$0x1] =	stream.indirect.gather @!p1 [spmem:s1], $0x80, s15, s4, $0xb8;
	[tilespmem:$0x1EB00] =	vst v63  }
0x5e: {  	_ =	swait.ge [sflag:s30], $0x1400  }
0x5f: {  	[sflag:s30] =	ssyncset.done $0x0  }
0x60: {  	[sflag:s30] =	ssyncadd.s32 $0xFFFFEC00  }
0x61: {  	[hbm4b:s12+s22] =	stream.strided.scatter [tilespmem:s24], [sflag:$0x9], $0x1400, s23, s22, $0x38;
	[tilespmem:$0x1EB00] =	vst v63  }
0x62: {  	_ =	swait.ge [sflag:s31], $0x1400  }
0x63: {  	[sflag:s31] =	ssyncset.done $0x0  }
0x64: {  	s2 =	sadd.s32 @!p1 $0xF0, s13;
	s13 =	simm.s32 @!p1 $0x6280;
	[sflag:s31] =	ssyncadd.s32 $0xFFFFEC00  }
0x65: {  	[tilespmem:s13], [sflag:$0x2] =	stream.indirect.gather @!p1 [spmem:s1], $0x80, s2, s4, $0xb8;
	[tilespmem:$0x1EB00] =	vst v63  }
0x66: {  	_ =	swait.ge [sflag:s0], $0x1400  }
0x67: {  	[sflag:s0] =	ssyncset.done $0x0  }
.Ltmp2:
0x68: {  	[sflag:s0] =	ssyncadd.s32 $0xFFFFEC00;
	(pc) =	sbr.rel @p1 .LBB2_4-.Ltmp2, $4  }
0x69: {  	[hbm4b:s11+s22] =	stream.strided.scatter [tilespmem:s26], [sflag:$0xA], $0x1400, s23, s22, $0x38;
	[tilespmem:$0x1EB00] =	vst v63  }
0x6a: {  	_ =	swait.ge [sflag:s19], $0x1400  }
0x6b: {  	[sflag:s19] =	ssyncset.done $0x0  }
0x6c: {  	[sflag:s19] =	ssyncadd.s32 $0xFFFFEC00  }
.Ltmp3:
0x6d: {  	(pc) =	sbr.rel .LBB2_2-.Ltmp3, $4  }
0x6e: {  	s2 =	sadd.s32 $0x118, s7  }
0x6f: {  	s8 =	sadd.s32 $0x320, s8;
	s6 =	sadd.s32 $0x1900, s6;
	s9 =	sadd.s32 $0x1900, s9  }
0x70: {  	s10 =	sadd.s32 $0x1900, s10;
	s11 =	sadd.s32 $0x1900, s11;
	s12 =	sadd.s32 $0x1900, s12  }
0x71: {  	[tilespmem:s20], [sflag:$0x3] =	stream.indirect.gather [spmem:s1], $0x80, s2, s16, $0xb8;
	[tilespmem:$0x1EB00] =	vst v63  }
.LBB2_5:
0x72: {  	_ =	sfence.sel $0x180000  }
0x73: {  	[bflag:$0x0] =	sbarrier.arrive $0xFFFF  }
0x74: {  	_ =	strace $0x90000047  }
0x75: {  	[bflag:$0x2] =	sbarrier.arrive $0xFFFF  }
0x76: {  	s0 =	rddreg [dreg:$0x5]  }
0x77: {  	s0 =	sadd.s32 @!p0 $0x100000, s0  }
0x78: {  	[sflag:s0] =	ssyncadd.tile.s32 @!p0 $0x1;
	_ =	shalt  }
.Lfunc_end2:
_tile_overlayer_lowered:
.L_overlay_start_2:
0x79: {  	(tag) =	ssettag $0x2  }
0x7a: {  	s0 =	rddreg [dreg:$0x0];
	s2 =	stileid.u32  }
0x7b: {  	s1 =	rddreg [dreg:$0x1];
	p0 =	sne.s32 s2, $0x0  }
0x7c: {  	s3 =	rddreg [dreg:$0x2];
	[bflag:$0x3] =	sbarrier.arrive $0xFFFF;
	s2 =	simm.s32 @!p0 $0x1C0B  }
0x7d: {  	[timem:s3], [sflag:s2] =	dma.local @!p0 [hbm:s0], s1  }
0x7e: {  	s0 =	simm.s32 @!p0 $0xB  }
0x7f: {  	_ =	swait.ge @!p0 [sflag:s0], s1  }
0x80: {  	s1 =	ssub.s32 @!p0 $0x0, s1;
	[sflag:s0] =	ssyncset.done @!p0 $0x0  }
0x81: {  	[sflag:s0] =	ssyncadd.s32 @!p0 s1  }
0x82: {  	[bflag:$0x3] =	sbarrier.arrive $0xFFFF  }
0x83: {  	_ =	shalt  }

</sc_bundles>
